<compile_context>
chip_gen: v7x
topology: tpu7x:2x2x1
jax: 0.10.2.dev20260603
libtpu: 0.0.44.dev20260713+nightly
codegen_flags: <defaults>
</compile_context>

<pallas_src>
import functools
import jax
import jax.numpy as jnp
from jax import lax
from jax.experimental import pallas as pl
from jax.experimental.pallas import tpu as pltpu
from jax.experimental.pallas import tpu_sc as plsc

VOCAB = 1000000
EMBED = 64
HIDDEN = 128
CLASSES = 3
B = 4096
L = 200

NC = 2
NS = 16
NW = NC * NS
BPW = B // NW
CHUNK = 100
CPR = L // CHUNK
NBUF = 4


def _sc_pool_body(table_hbm, idx_hbm, out_hbm, idx_v, b0, b1v, b2v, b3, pooled_v,
                  s0, s1, s2, s3):
    bufs = (b0, b1v, b2v, b3)
    sems = (s0, s1, s2, s3)
    wid = lax.axis_index("s") * NC + lax.axis_index("c")
    row_base = wid * BPW
    chunk_base = wid * (BPW * CPR)

    pltpu.sync_copy(idx_hbm.at[pl.ds(chunk_base, BPW * CPR)], idx_v)

    def issue(row, slot):
        pltpu.async_copy(table_hbm.at[idx_v.at[CPR * row]],
                         bufs[slot].at[pl.ds(0, CHUNK)], sems[slot])
        pltpu.async_copy(table_hbm.at[idx_v.at[CPR * row + 1]],
                         bufs[slot].at[pl.ds(CHUNK, CHUNK)], sems[slot])

    for s in range(NBUF):
        issue(s, s)

    def accum_body(j, acc, buf):
        return tuple(acc[k] + buf[j, pl.ds(16 * k, 16)] for k in range(4))

    def outer(g, carry):
        for s in range(NBUF):
            r = g * NBUF + s
            pltpu.make_async_copy(table_hbm.at[idx_v.at[CPR * r]],
                                  bufs[s].at[pl.ds(0, CHUNK)], sems[s]).wait()
            pltpu.make_async_copy(table_hbm.at[idx_v.at[CPR * r + 1]],
                                  bufs[s].at[pl.ds(CHUNK, CHUNK)], sems[s]).wait()
            z = jnp.zeros((16,), jnp.float32)
            acc = lax.fori_loop(0, L,
                                functools.partial(accum_body, buf=bufs[s]),
                                (z, z, z, z), unroll=4)
            for k in range(4):
                pooled_v[r, pl.ds(16 * k, 16)] = acc[k]

            @pl.when(r + NBUF < BPW)
            def _():
                issue(r + NBUF, s)
        return carry

    lax.fori_loop(0, BPW // NBUF, outer, 0)
    pltpu.sync_copy(pooled_v, out_hbm.at[pl.ds(row_base, BPW)])


def _sc_pool(table, idx_chunks):
    mesh = plsc.VectorSubcoreMesh(core_axis_name="c", subcore_axis_name="s",
                                  num_cores=NC, num_subcores=NS)
    f = pl.kernel(
        _sc_pool_body,
        out_type=jax.ShapeDtypeStruct((B, EMBED), jnp.float32),
        mesh=mesh,
        scratch_types=[
            pltpu.VMEM((BPW * CPR, CHUNK), jnp.int32),
            pltpu.VMEM((L, EMBED), jnp.float32),
            pltpu.VMEM((L, EMBED), jnp.float32),
            pltpu.VMEM((L, EMBED), jnp.float32),
            pltpu.VMEM((L, EMBED), jnp.float32),
            pltpu.VMEM((BPW, EMBED), jnp.float32),
            pltpu.SemaphoreType.DMA,
            pltpu.SemaphoreType.DMA,
            pltpu.SemaphoreType.DMA,
            pltpu.SemaphoreType.DMA,
        ],
        compiler_params=pltpu.CompilerParams(use_tc_tiling_on_sc=False),
    )
    return f(table, idx_chunks)


def _mlp_body(p_ref, w1t_ref, b1_ref, w2t_ref, b2_ref, o_ref):
    p = p_ref[...] * (1.0 / L)
    h = jnp.dot(p, w1t_ref[...], preferred_element_type=jnp.float32)
    h = jnp.maximum(h + b1_ref[...], 0.0)
    o_ref[...] = jnp.dot(h, w2t_ref[...],
                         preferred_element_type=jnp.float32) + b2_ref[...]


def _mlp(pooled_sum, w1t, b1, w2t_pad, b2_pad):
    blk = 512
    grid = (B // blk,)
    return pl.pallas_call(
        _mlp_body,
        grid=grid,
        in_specs=[
            pl.BlockSpec((blk, EMBED), lambda i: (i, 0)),
            pl.BlockSpec((EMBED, HIDDEN), lambda i: (0, 0)),
            pl.BlockSpec((1, HIDDEN), lambda i: (0, 0)),
            pl.BlockSpec((HIDDEN, HIDDEN), lambda i: (0, 0)),
            pl.BlockSpec((1, HIDDEN), lambda i: (0, 0)),
        ],
        out_specs=pl.BlockSpec((blk, HIDDEN), lambda i: (i, 0)),
        out_shape=jax.ShapeDtypeStruct((B, HIDDEN), jnp.float32),
    )(pooled_sum, w1t, b1, w2t_pad, b2_pad)


def kernel(x, table, W1, b1, W2, b2):
    idx_chunks = x.astype(jnp.int32).reshape(B * CPR, CHUNK)
    pooled_sum = _sc_pool(table, idx_chunks)
    w1t = W1.T
    b1r = b1.reshape(1, HIDDEN)
    w2t_pad = jnp.zeros((HIDDEN, HIDDEN), jnp.float32).at[:, :CLASSES].set(W2.T)
    b2_pad = jnp.zeros((1, HIDDEN), jnp.float32).at[0, :CLASSES].set(b2)
    out_pad = _mlp(pooled_sum, w1t, b1r, w2t_pad, b2_pad)
    return out_pad[:, :CLASSES]

# --- scband reference (transcript-rebuilt; emitter-appended) ---
"""Pipeline reference for scband-simple-sentiment-model-29240137351696 (READ-ONLY COPY).

The authoritative reference and input builder live on the scoring server;
editing this copy changes nothing except your own understanding.
"""

import jax, jax.numpy as jnp
import numpy as np

VOCAB = 1000000
EMBED = 64
HIDDEN = 128
CLASSES = 3
B = 4096
L = 200

def setup_inputs(seed: int = 0) -> dict:
    key = jax.random.key(seed)
    k1, k2, k3, k4, k5, k6 = jax.random.split(key, 6)
    x = jax.random.randint(k1, (B, L), 0, VOCAB, dtype=jnp.int64 if jax.config.jax_enable_x64 else jnp.int32)
    table = jax.random.normal(k2, (VOCAB, EMBED), dtype=jnp.float32)
    table = table.at[0].set(0.0)  # padding_idx=0
    W1 = jax.random.normal(k3, (HIDDEN, EMBED), dtype=jnp.float32) * (1.0 / np.sqrt(EMBED))
    b1 = jax.random.normal(k4, (HIDDEN,), dtype=jnp.float32) * 0.01
    W2 = jax.random.normal(k5, (CLASSES, HIDDEN), dtype=jnp.float32) * (1.0 / np.sqrt(HIDDEN))
    b2 = jax.random.normal(k6, (CLASSES,), dtype=jnp.float32) * 0.01
    return {"x": x, "table": table, "W1": W1, "b1": b1, "W2": W2, "b2": b2}

def reference(x, table, W1, b1, W2, b2):
    # enforce padding_idx=0 semantics: row 0 is always zero
    table = table.at[0].set(0.0)
    emb = jnp.take(table, x, axis=0)          # [B, L, EMBED] gather
    pooled = emb.mean(axis=1)                  # [B, EMBED]
    h = jax.nn.relu(pooled @ W1.T + b1)        # [B, HIDDEN]
    out = h @ W2.T + b2                        # [B, CLASSES]
    return out

if __name__ == "__main__":
    import jax
    _d = setup_inputs()
    print(jax.jit(kernel)(*tuple(_d.values())))

</pallas_src>

<mosaic_0001>
#map = affine_map<(d0, d1) -> (0, 0)>
module attributes {stable_mosaic.version = 14 : i64} {
  func.func @_sc_pool_body(%arg0: i32, %arg1: i32, %arg2: memref<1000000x64xf32, #tpu.memory_space<hbm>>, %arg3: memref<8192x100xi32, #tpu.memory_space<hbm>>, %arg4: memref<4096x64xf32, #tpu.memory_space<hbm>>, %arg5: memref<256x100xi32, #tpu.memory_space<vmem>>, %arg6: memref<200x64xf32, #tpu.memory_space<vmem>>, %arg7: memref<200x64xf32, #tpu.memory_space<vmem>>, %arg8: memref<200x64xf32, #tpu.memory_space<vmem>>, %arg9: memref<200x64xf32, #tpu.memory_space<vmem>>, %arg10: memref<128x64xf32, #tpu.memory_space<vmem>>, %arg11: memref<!tpu.dma_semaphore, #tpu.memory_space<semaphore_mem>>, %arg12: memref<!tpu.dma_semaphore, #tpu.memory_space<semaphore_mem>>, %arg13: memref<!tpu.dma_semaphore, #tpu.memory_space<semaphore_mem>>, %arg14: memref<!tpu.dma_semaphore, #tpu.memory_space<semaphore_mem>>) attributes {dimension_semantics = [#tpu.dimension_semantics<core_parallel>, #tpu.dimension_semantics<subcore_parallel>], iteration_bounds = array<i64: 2, 16>, scalar_prefetch = 0 : i64, scratch_operands = 10 : i64, tpu.core_type = #tpu.core_type<sc_vector_subcore>, window_params = [{transform_indices = #map}, {transform_indices = #map}, {transform_indices = #map}]} {
    %mul3A = arith.constant 2 : i32
    %mul3A_0 = arith.muli %arg1, %mul3A : i32
    %add3A = arith.addi %mul3A_0, %arg0 : i32
    %mul3A_1 = arith.constant 128 : i32
    %mul3A_2 = arith.muli %add3A, %mul3A_1 : i32
    %mul3A_3 = arith.constant 256 : i32
    %mul3A_4 = arith.muli %add3A, %mul3A_3 : i32
    "tpu.region"() ({
      %run_scoped3A = tpu.sem_alloc : memref<!tpu.dma_semaphore, #tpu.memory_space<semaphore_mem>>
      %dma_start3A_89 = arith.constant 0 : i32
      %dma_start3A_90 = tpu.memref_slice %arg3[%mul3A_4, %dma_start3A_89] : memref<8192x100xi32, #tpu.memory_space<hbm>> -> memref<256x100xi32, #tpu.memory_space<hbm>>
      %dma_start3A_91 = arith.constant 0 : i32
      %dma_start3A_92 = tpu.memref_slice %arg3[%mul3A_4, %dma_start3A_91] : memref<8192x100xi32, #tpu.memory_space<hbm>> -> memref<256x100xi32, #tpu.memory_space<hbm>>
      tpu.enqueue_dma source(%dma_start3A_92 : memref<256x100xi32, #tpu.memory_space<hbm>>) target(%arg5 : memref<256x100xi32, #tpu.memory_space<vmem>>) target_semaphore(%run_scoped3A : memref<!tpu.dma_semaphore, #tpu.memory_space<semaphore_mem>>)
      %dma_wait3A = arith.constant 0 : i32
      %dma_wait3A_93 = tpu.memref_slice %arg3[%mul3A_4, %dma_wait3A] : memref<8192x100xi32, #tpu.memory_space<hbm>> -> memref<256x100xi32, #tpu.memory_space<hbm>>
      %dma_wait3A_94 = arith.constant 0 : i32
      %dma_wait3A_95 = tpu.memref_slice %arg3[%mul3A_4, %dma_wait3A_94] : memref<8192x100xi32, #tpu.memory_space<hbm>> -> memref<256x100xi32, #tpu.memory_space<hbm>>
      tpu.wait_dma2 semaphore(%run_scoped3A : memref<!tpu.dma_semaphore, #tpu.memory_space<semaphore_mem>>) src(%dma_wait3A_95 : memref<256x100xi32, #tpu.memory_space<hbm>>) dst(%arg5 : memref<256x100xi32, #tpu.memory_space<vmem>>)
      tpu.yield
    }) : () -> ()
    %dma_start3A = arith.constant 0 : i32
    %dma_start3A_5 = arith.constant 0 : i32
    %dma_start3A_6 = arith.constant 0 : i32
    %dma_start3A_7 = tpu.memref_slice %arg6[%dma_start3A_5, %dma_start3A_6] : memref<200x64xf32, #tpu.memory_space<vmem>> -> memref<100x64xf32, #tpu.memory_space<vmem>>
    %dma_start3A_8 = arith.constant 0 : i32
    %dma_start3A_9 = tpu.memref_slice %arg5[%dma_start3A, %dma_start3A_8] : memref<256x100xi32, #tpu.memory_space<vmem>> -> memref<1x100xi32, #tpu.memory_space<vmem>>
    %dma_start3A_10 = tpu.memref_squeeze %dma_start3A_9 : memref<1x100xi32, #tpu.memory_space<vmem>> -> memref<100xi32, #tpu.memory_space<vmem>>
    %dma_start3A_11 = arith.constant 0 : i32
    %dma_start3A_12 = arith.constant 0 : i32
    %dma_start3A_13 = tpu.memref_slice %arg2[%dma_start3A_11, %dma_start3A_12] : memref<1000000x64xf32, #tpu.memory_space<hbm>> -> memref<1000000x64xf32, #tpu.memory_space<hbm>>
    tpu.enqueue_indirect_dma source(%dma_start3A_13 : memref<1000000x64xf32, #tpu.memory_space<hbm>>) target(%dma_start3A_7 : memref<100x64xf32, #tpu.memory_space<vmem>>) offsets(%dma_start3A_10 : memref<100xi32, #tpu.memory_space<vmem>>) semaphore(%arg11 : memref<!tpu.dma_semaphore, #tpu.memory_space<semaphore_mem>>)
    %dma_start3A_14 = arith.constant 1 : i32
    %dma_start3A_15 = arith.constant 100 : i32
    %dma_start3A_16 = arith.constant 0 : i32
    %dma_start3A_17 = tpu.memref_slice %arg6[%dma_start3A_15, %dma_start3A_16] : memref<200x64xf32, #tpu.memory_space<vmem>> -> memref<100x64xf32, #tpu.memory_space<vmem>>
    %dma_start3A_18 = arith.constant 0 : i32
    %dma_start3A_19 = tpu.memref_slice %arg5[%dma_start3A_14, %dma_start3A_18] : memref<256x100xi32, #tpu.memory_space<vmem>> -> memref<1x100xi32, #tpu.memory_space<vmem>>
    %dma_start3A_20 = tpu.memref_squeeze %dma_start3A_19 : memref<1x100xi32, #tpu.memory_space<vmem>> -> memref<100xi32, #tpu.memory_space<vmem>>
    %dma_start3A_21 = arith.constant 0 : i32
    %dma_start3A_22 = arith.constant 0 : i32
    %dma_start3A_23 = tpu.memref_slice %arg2[%dma_start3A_21, %dma_start3A_22] : memref<1000000x64xf32, #tpu.memory_space<hbm>> -> memref<1000000x64xf32, #tpu.memory_space<hbm>>
    tpu.enqueue_indirect_dma source(%dma_start3A_23 : memref<1000000x64xf32, #tpu.memory_space<hbm>>) target(%dma_start3A_17 : memref<100x64xf32, #tpu.memory_space<vmem>>) offsets(%dma_start3A_20 : memref<100xi32, #tpu.memory_space<vmem>>) semaphore(%arg11 : memref<!tpu.dma_semaphore, #tpu.memory_space<semaphore_mem>>)
    %dma_start3A_24 = arith.constant 2 : i32
    %dma_start3A_25 = arith.constant 0 : i32
    %dma_start3A_26 = arith.constant 0 : i32
    %dma_start3A_27 = tpu.memref_slice %arg7[%dma_start3A_25, %dma_start3A_26] : memref<200x64xf32, #tpu.memory_space<vmem>> -> memref<100x64xf32, #tpu.memory_space<vmem>>
    %dma_start3A_28 = arith.constant 0 : i32
    %dma_start3A_29 = tpu.memref_slice %arg5[%dma_start3A_24, %dma_start3A_28] : memref<256x100xi32, #tpu.memory_space<vmem>> -> memref<1x100xi32, #tpu.memory_space<vmem>>
    %dma_start3A_30 = tpu.memref_squeeze %dma_start3A_29 : memref<1x100xi32, #tpu.memory_space<vmem>> -> memref<100xi32, #tpu.memory_space<vmem>>
    %dma_start3A_31 = arith.constant 0 : i32
    %dma_start3A_32 = arith.constant 0 : i32
    %dma_start3A_33 = tpu.memref_slice %arg2[%dma_start3A_31, %dma_start3A_32] : memref<1000000x64xf32, #tpu.memory_space<hbm>> -> memref<1000000x64xf32, #tpu.memory_space<hbm>>
    tpu.enqueue_indirect_dma source(%dma_start3A_33 : memref<1000000x64xf32, #tpu.memory_space<hbm>>) target(%dma_start3A_27 : memref<100x64xf32, #tpu.memory_space<vmem>>) offsets(%dma_start3A_30 : memref<100xi32, #tpu.memory_space<vmem>>) semaphore(%arg12 : memref<!tpu.dma_semaphore, #tpu.memory_space<semaphore_mem>>)
    %dma_start3A_34 = arith.constant 3 : i32
    %dma_start3A_35 = arith.constant 100 : i32
    %dma_start3A_36 = arith.constant 0 : i32
    %dma_start3A_37 = tpu.memref_slice %arg7[%dma_start3A_35, %dma_start3A_36] : memref<200x64xf32, #tpu.memory_space<vmem>> -> memref<100x64xf32, #tpu.memory_space<vmem>>
    %dma_start3A_38 = arith.constant 0 : i32
    %dma_start3A_39 = tpu.memref_slice %arg5[%dma_start3A_34, %dma_start3A_38] : memref<256x100xi32, #tpu.memory_space<vmem>> -> memref<1x100xi32, #tpu.memory_space<vmem>>
    %dma_start3A_40 = tpu.memref_squeeze %dma_start3A_39 : memref<1x100xi32, #tpu.memory_space<vmem>> -> memref<100xi32, #tpu.memory_space<vmem>>
    %dma_start3A_41 = arith.constant 0 : i32
    %dma_start3A_42 = arith.constant 0 : i32
    %dma_start3A_43 = tpu.memref_slice %arg2[%dma_start3A_41, %dma_start3A_42] : memref<1000000x64xf32, #tpu.memory_space<hbm>> -> memref<1000000x64xf32, #tpu.memory_space<hbm>>
    tpu.enqueue_indirect_dma source(%dma_start3A_43 : memref<1000000x64xf32, #tpu.memory_space<hbm>>) target(%dma_start3A_37 : memref<100x64xf32, #tpu.memory_space<vmem>>) offsets(%dma_start3A_40 : memref<100xi32, #tpu.memory_space<vmem>>) semaphore(%arg12 : memref<!tpu.dma_semaphore, #tpu.memory_space<semaphore_mem>>)
    %dma_start3A_44 = arith.constant 4 : i32
    %dma_start3A_45 = arith.constant 0 : i32
    %dma_start3A_46 = arith.constant 0 : i32
    %dma_start3A_47 = tpu.memref_slice %arg8[%dma_start3A_45, %dma_start3A_46] : memref<200x64xf32, #tpu.memory_space<vmem>> -> memref<100x64xf32, #tpu.memory_space<vmem>>
    %dma_start3A_48 = arith.constant 0 : i32
    %dma_start3A_49 = tpu.memref_slice %arg5[%dma_start3A_44, %dma_start3A_48] : memref<256x100xi32, #tpu.memory_space<vmem>> -> memref<1x100xi32, #tpu.memory_space<vmem>>
    %dma_start3A_50 = tpu.memref_squeeze %dma_start3A_49 : memref<1x100xi32, #tpu.memory_space<vmem>> -> memref<100xi32, #tpu.memory_space<vmem>>
    %dma_start3A_51 = arith.constant 0 : i32
    %dma_start3A_52 = arith.constant 0 : i32
    %dma_start3A_53 = tpu.memref_slice %arg2[%dma_start3A_51, %dma_start3A_52] : memref<1000000x64xf32, #tpu.memory_space<hbm>> -> memref<1000000x64xf32, #tpu.memory_space<hbm>>
    tpu.enqueue_indirect_dma source(%dma_start3A_53 : memref<1000000x64xf32, #tpu.memory_space<hbm>>) target(%dma_start3A_47 : memref<100x64xf32, #tpu.memory_space<vmem>>) offsets(%dma_start3A_50 : memref<100xi32, #tpu.memory_space<vmem>>) semaphore(%arg13 : memref<!tpu.dma_semaphore, #tpu.memory_space<semaphore_mem>>)
    %dma_start3A_54 = arith.constant 5 : i32
    %dma_start3A_55 = arith.constant 100 : i32
    %dma_start3A_56 = arith.constant 0 : i32
    %dma_start3A_57 = tpu.memref_slice %arg8[%dma_start3A_55, %dma_start3A_56] : memref<200x64xf32, #tpu.memory_space<vmem>> -> memref<100x64xf32, #tpu.memory_space<vmem>>
    %dma_start3A_58 = arith.constant 0 : i32
    %dma_start3A_59 = tpu.memref_slice %arg5[%dma_start3A_54, %dma_start3A_58] : memref<256x100xi32, #tpu.memory_space<vmem>> -> memref<1x100xi32, #tpu.memory_space<vmem>>
    %dma_start3A_60 = tpu.memref_squeeze %dma_start3A_59 : memref<1x100xi32, #tpu.memory_space<vmem>> -> memref<100xi32, #tpu.memory_space<vmem>>
    %dma_start3A_61 = arith.constant 0 : i32
    %dma_start3A_62 = arith.constant 0 : i32
    %dma_start3A_63 = tpu.memref_slice %arg2[%dma_start3A_61, %dma_start3A_62] : memref<1000000x64xf32, #tpu.memory_space<hbm>> -> memref<1000000x64xf32, #tpu.memory_space<hbm>>
    tpu.enqueue_indirect_dma source(%dma_start3A_63 : memref<1000000x64xf32, #tpu.memory_space<hbm>>) target(%dma_start3A_57 : memref<100x64xf32, #tpu.memory_space<vmem>>) offsets(%dma_start3A_60 : memref<100xi32, #tpu.memory_space<vmem>>) semaphore(%arg13 : memref<!tpu.dma_semaphore, #tpu.memory_space<semaphore_mem>>)
    %dma_start3A_64 = arith.constant 6 : i32
    %dma_start3A_65 = arith.constant 0 : i32
    %dma_start3A_66 = arith.constant 0 : i32
    %dma_start3A_67 = tpu.memref_slice %arg9[%dma_start3A_65, %dma_start3A_66] : memref<200x64xf32, #tpu.memory_space<vmem>> -> memref<100x64xf32, #tpu.memory_space<vmem>>
    %dma_start3A_68 = arith.constant 0 : i32
    %dma_start3A_69 = tpu.memref_slice %arg5[%dma_start3A_64, %dma_start3A_68] : memref<256x100xi32, #tpu.memory_space<vmem>> -> memref<1x100xi32, #tpu.memory_space<vmem>>
    %dma_start3A_70 = tpu.memref_squeeze %dma_start3A_69 : memref<1x100xi32, #tpu.memory_space<vmem>> -> memref<100xi32, #tpu.memory_space<vmem>>
    %dma_start3A_71 = arith.constant 0 : i32
    %dma_start3A_72 = arith.constant 0 : i32
    %dma_start3A_73 = tpu.memref_slice %arg2[%dma_start3A_71, %dma_start3A_72] : memref<1000000x64xf32, #tpu.memory_space<hbm>> -> memref<1000000x64xf32, #tpu.memory_space<hbm>>
    tpu.enqueue_indirect_dma source(%dma_start3A_73 : memref<1000000x64xf32, #tpu.memory_space<hbm>>) target(%dma_start3A_67 : memref<100x64xf32, #tpu.memory_space<vmem>>) offsets(%dma_start3A_70 : memref<100xi32, #tpu.memory_space<vmem>>) semaphore(%arg14 : memref<!tpu.dma_semaphore, #tpu.memory_space<semaphore_mem>>)
    %dma_start3A_74 = arith.constant 7 : i32
    %dma_start3A_75 = arith.constant 100 : i32
    %dma_start3A_76 = arith.constant 0 : i32
    %dma_start3A_77 = tpu.memref_slice %arg9[%dma_start3A_75, %dma_start3A_76] : memref<200x64xf32, #tpu.memory_space<vmem>> -> memref<100x64xf32, #tpu.memory_space<vmem>>
    %dma_start3A_78 = arith.constant 0 : i32
    %dma_start3A_79 = tpu.memref_slice %arg5[%dma_start3A_74, %dma_start3A_78] : memref<256x100xi32, #tpu.memory_space<vmem>> -> memref<1x100xi32, #tpu.memory_space<vmem>>
    %dma_start3A_80 = tpu.memref_squeeze %dma_start3A_79 : memref<1x100xi32, #tpu.memory_space<vmem>> -> memref<100xi32, #tpu.memory_space<vmem>>
    %dma_start3A_81 = arith.constant 0 : i32
    %dma_start3A_82 = arith.constant 0 : i32
    %dma_start3A_83 = tpu.memref_slice %arg2[%dma_start3A_81, %dma_start3A_82] : memref<1000000x64xf32, #tpu.memory_space<hbm>> -> memref<1000000x64xf32, #tpu.memory_space<hbm>>
    tpu.enqueue_indirect_dma source(%dma_start3A_83 : memref<1000000x64xf32, #tpu.memory_space<hbm>>) target(%dma_start3A_77 : memref<100x64xf32, #tpu.memory_space<vmem>>) offsets(%dma_start3A_80 : memref<100xi32, #tpu.memory_space<vmem>>) semaphore(%arg14 : memref<!tpu.dma_semaphore, #tpu.memory_space<semaphore_mem>>)
    %scan3A = arith.constant 0 : i32
    %scan3A_84 = arith.constant 0 : i32
    %scan3A_85 = arith.constant 32 : i32
    %scan3A_86 = arith.addi %scan3A_84, %scan3A_85 : i32
    %scan3A_87 = arith.constant 1 : i32
    scf.for %scan3A_89 = %scan3A_84 to %scan3A_86 step %scan3A_87  : i32 {
      %mul3A_90 = arith.constant 4 : i32
      %mul3A_91 = arith.muli %scan3A_89, %mul3A_90 : i32
      %add3A_92 = arith.constant 0 : i32
      %add3A_93 = arith.addi %mul3A_91, %add3A_92 : i32
      %mul3A_94 = arith.constant 2 : i32
      %mul3A_95 = arith.muli %mul3A_94, %add3A_93 : i32
      %dma_wait3A = arith.constant 0 : i32
      %dma_wait3A_96 = arith.constant 0 : i32
      %dma_wait3A_97 = tpu.memref_slice %arg6[%dma_wait3A, %dma_wait3A_96] : memref<200x64xf32, #tpu.memory_space<vmem>> -> memref<100x64xf32, #tpu.memory_space<vmem>>
      %dma_wait3A_98 = arith.constant 0 : i32
      %dma_wait3A_99 = tpu.memref_slice %arg5[%mul3A_95, %dma_wait3A_98] : memref<256x100xi32, #tpu.memory_space<vmem>> -> memref<1x100xi32, #tpu.memory_space<vmem>>
      %dma_wait3A_100 = tpu.memref_squeeze %dma_wait3A_99 : memref<1x100xi32, #tpu.memory_space<vmem>> -> memref<100xi32, #tpu.memory_space<vmem>>
      %dma_wait3A_101 = arith.constant 0 : i32
      %dma_wait3A_102 = arith.constant 0 : i32
      %dma_wait3A_103 = tpu.memref_slice %arg2[%dma_wait3A_101, %dma_wait3A_102] : memref<1000000x64xf32, #tpu.memory_space<hbm>> -> memref<1000000x64xf32, #tpu.memory_space<hbm>>
      tpu.wait_indirect_dma semaphore(%arg11 : memref<!tpu.dma_semaphore, #tpu.memory_space<semaphore_mem>>) src(%dma_wait3A_103 : memref<1000000x64xf32, #tpu.memory_space<hbm>>) dst(%dma_wait3A_97 : memref<100x64xf32, #tpu.memory_space<vmem>>)
      %mul3A_104 = arith.constant 2 : i32
      %mul3A_105 = arith.muli %mul3A_104, %add3A_93 : i32
      %add3A_106 = arith.constant 1 : i32
      %add3A_107 = arith.addi %mul3A_105, %add3A_106 : i32
      %dma_wait3A_108 = arith.constant 100 : i32
      %dma_wait3A_109 = arith.constant 0 : i32
      %dma_wait3A_110 = tpu.memref_slice %arg6[%dma_wait3A_108, %dma_wait3A_109] : memref<200x64xf32, #tpu.memory_space<vmem>> -> memref<100x64xf32, #tpu.memory_space<vmem>>
      %dma_wait3A_111 = arith.constant 0 : i32
      %dma_wait3A_112 = tpu.memref_slice %arg5[%add3A_107, %dma_wait3A_111] : memref<256x100xi32, #tpu.memory_space<vmem>> -> memref<1x100xi32, #tpu.memory_space<vmem>>
      %dma_wait3A_113 = tpu.memref_squeeze %dma_wait3A_112 : memref<1x100xi32, #tpu.memory_space<vmem>> -> memref<100xi32, #tpu.memory_space<vmem>>
      %dma_wait3A_114 = arith.constant 0 : i32
      %dma_wait3A_115 = arith.constant 0 : i32
      %dma_wait3A_116 = tpu.memref_slice %arg2[%dma_wait3A_114, %dma_wait3A_115] : memref<1000000x64xf32, #tpu.memory_space<hbm>> -> memref<1000000x64xf32, #tpu.memory_space<hbm>>
      tpu.wait_indirect_dma semaphore(%arg11 : memref<!tpu.dma_semaphore, #tpu.memory_space<semaphore_mem>>) src(%dma_wait3A_116 : memref<1000000x64xf32, #tpu.memory_space<hbm>>) dst(%dma_wait3A_110 : memref<100x64xf32, #tpu.memory_space<vmem>>)
      %broadcast_in_dim3A = arith.constant 0.000000e+00 : f32
      %broadcast_in_dim3A_117 = vector.broadcast %broadcast_in_dim3A : f32 to vector<16xf32>
      %scan3A_118 = arith.constant 0 : i32
      %scan3A_119 = arith.constant 200 : i32
      %scan3A_120 = arith.addi %scan3A_118, %scan3A_119 : i32
      %scan3A_121 = arith.constant 4 : i32
      %scan3A_122:4 = scf.for %scan3A_336 = %scan3A_118 to %scan3A_120 step %scan3A_121 iter_args(%scan3A_337 = %broadcast_in_dim3A_117, %scan3A_338 = %broadcast_in_dim3A_117, %scan3A_339 = %broadcast_in_dim3A_117, %scan3A_340 = %broadcast_in_dim3A_117) -> (vector<16xf32>, vector<16xf32>, vector<16xf32>, vector<16xf32>)  : i32 {
        %get3A = arith.index_cast %scan3A_336 : i32 to index
        %get3A_341 = arith.constant 0 : index
        %get3A_342 = tpu.vector_load %arg6[%get3A, %get3A_341] {strides = array<i32>} : memref<200x64xf32, #tpu.memory_space<vmem>>, vector<1x16xf32>,
        %get3A_343 = vector.shape_cast %get3A_342 : vector<1x16xf32> to vector<16xf32>
        %add3A_344 = arith.addf %scan3A_337, %get3A_343 : vector<16xf32>
        %get3A_345 = arith.index_cast %scan3A_336 : i32 to index
        %get3A_346 = arith.constant 16 : index
        %get3A_347 = tpu.vector_load %arg6[%get3A_345, %get3A_346] {strides = array<i32>} : memref<200x64xf32, #tpu.memory_space<vmem>>, vector<1x16xf32>,
        %get3A_348 = vector.shape_cast %get3A_347 : vector<1x16xf32> to vector<16xf32>
        %add3A_349 = arith.addf %scan3A_338, %get3A_348 : vector<16xf32>
        %get3A_350 = arith.index_cast %scan3A_336 : i32 to index
        %get3A_351 = arith.constant 32 : index
        %get3A_352 = tpu.vector_load %arg6[%get3A_350, %get3A_351] {strides = array<i32>} : memref<200x64xf32, #tpu.memory_space<vmem>>, vector<1x16xf32>,
        %get3A_353 = vector.shape_cast %get3A_352 : vector<1x16xf32> to vector<16xf32>
        %add3A_354 = arith.addf %scan3A_339, %get3A_353 : vector<16xf32>
        %get3A_355 = arith.index_cast %scan3A_336 : i32 to index
        %get3A_356 = arith.constant 48 : index
        %get3A_357 = tpu.vector_load %arg6[%get3A_355, %get3A_356] {strides = array<i32>} : memref<200x64xf32, #tpu.memory_space<vmem>>, vector<1x16xf32>,
        %get3A_358 = vector.shape_cast %get3A_357 : vector<1x16xf32> to vector<16xf32>
        %add3A_359 = arith.addf %scan3A_340, %get3A_358 : vector<16xf32>
        %scan3A_360 = arith.constant 1 : i32
        %scan3A_361 = arith.addi %scan3A_336, %scan3A_360 : i32
        %get3A_362 = arith.index_cast %scan3A_361 : i32 to index
        %get3A_363 = arith.constant 0 : index
        %get3A_364 = tpu.vector_load %arg6[%get3A_362, %get3A_363] {strides = array<i32>} : memref<200x64xf32, #tpu.memory_space<vmem>>, vector<1x16xf32>,
        %get3A_365 = vector.shape_cast %get3A_364 : vector<1x16xf32> to vector<16xf32>
        %add3A_366 = arith.addf %add3A_344, %get3A_365 : vector<16xf32>
        %get3A_367 = arith.index_cast %scan3A_361 : i32 to index
        %get3A_368 = arith.constant 16 : index
        %get3A_369 = tpu.vector_load %arg6[%get3A_367, %get3A_368] {strides = array<i32>} : memref<200x64xf32, #tpu.memory_space<vmem>>, vector<1x16xf32>,
        %get3A_370 = vector.shape_cast %get3A_369 : vector<1x16xf32> to vector<16xf32>
        %add3A_371 = arith.addf %add3A_349, %get3A_370 : vector<16xf32>
        %get3A_372 = arith.index_cast %scan3A_361 : i32 to index
        %get3A_373 = arith.constant 32 : index
        %get3A_374 = tpu.vector_load %arg6[%get3A_372, %get3A_373] {strides = array<i32>} : memref<200x64xf32, #tpu.memory_space<vmem>>, vector<1x16xf32>,
        %get3A_375 = vector.shape_cast %get3A_374 : vector<1x16xf32> to vector<16xf32>
        %add3A_376 = arith.addf %add3A_354, %get3A_375 : vector<16xf32>
        %get3A_377 = arith.index_cast %scan3A_361 : i32 to index
        %get3A_378 = arith.constant 48 : index
        %get3A_379 = tpu.vector_load %arg6[%get3A_377, %get3A_378] {strides = array<i32>} : memref<200x64xf32, #tpu.memory_space<vmem>>, vector<1x16xf32>,
        %get3A_380 = vector.shape_cast %get3A_379 : vector<1x16xf32> to vector<16xf32>
        %add3A_381 = arith.addf %add3A_359, %get3A_380 : vector<16xf32>
        %scan3A_382 = arith.constant 2 : i32
        %scan3A_383 = arith.addi %scan3A_336, %scan3A_382 : i32
        %get3A_384 = arith.index_cast %scan3A_383 : i32 to index
        %get3A_385 = arith.constant 0 : index
        %get3A_386 = tpu.vector_load %arg6[%get3A_384, %get3A_385] {strides = array<i32>} : memref<200x64xf32, #tpu.memory_space<vmem>>, vector<1x16xf32>,
        %get3A_387 = vector.shape_cast %get3A_386 : vector<1x16xf32> to vector<16xf32>
        %add3A_388 = arith.addf %add3A_366, %get3A_387 : vector<16xf32>
        %get3A_389 = arith.index_cast %scan3A_383 : i32 to index
        %get3A_390 = arith.constant 16 : index
        %get3A_391 = tpu.vector_load %arg6[%get3A_389, %get3A_390] {strides = array<i32>} : memref<200x64xf32, #tpu.memory_space<vmem>>, vector<1x16xf32>,
        %get3A_392 = vector.shape_cast %get3A_391 : vector<1x16xf32> to vector<16xf32>
        %add3A_393 = arith.addf %add3A_371, %get3A_392 : vector<16xf32>
        %get3A_394 = arith.index_cast %scan3A_383 : i32 to index
        %get3A_395 = arith.constant 32 : index
        %get3A_396 = tpu.vector_load %arg6[%get3A_394, %get3A_395] {strides = array<i32>} : memref<200x64xf32, #tpu.memory_space<vmem>>, vector<1x16xf32>,
        %get3A_397 = vector.shape_cast %get3A_396 : vector<1x16xf32> to vector<16xf32>
        %add3A_398 = arith.addf %add3A_376, %get3A_397 : vector<16xf32>
        %get3A_399 = arith.index_cast %scan3A_383 : i32 to index
        %get3A_400 = arith.constant 48 : index
        %get3A_401 = tpu.vector_load %arg6[%get3A_399, %get3A_400] {strides = array<i32>} : memref<200x64xf32, #tpu.memory_space<vmem>>, vector<1x16xf32>,
        %get3A_402 = vector.shape_cast %get3A_401 : vector<1x16xf32> to vector<16xf32>
        %add3A_403 = arith.addf %add3A_381, %get3A_402 : vector<16xf32>
        %scan3A_404 = arith.constant 3 : i32
        %scan3A_405 = arith.addi %scan3A_336, %scan3A_404 : i32
        %get3A_406 = arith.index_cast %scan3A_405 : i32 to index
        %get3A_407 = arith.constant 0 : index
        %get3A_408 = tpu.vector_load %arg6[%get3A_406, %get3A_407] {strides = array<i32>} : memref<200x64xf32, #tpu.memory_space<vmem>>, vector<1x16xf32>,
        %get3A_409 = vector.shape_cast %get3A_408 : vector<1x16xf32> to vector<16xf32>
        %add3A_410 = arith.addf %add3A_388, %get3A_409 : vector<16xf32>
        %get3A_411 = arith.index_cast %scan3A_405 : i32 to index
        %get3A_412 = arith.constant 16 : index
        %get3A_413 = tpu.vector_load %arg6[%get3A_411, %get3A_412] {strides = array<i32>} : memref<200x64xf32, #tpu.memory_space<vmem>>, vector<1x16xf32>,
        %get3A_414 = vector.shape_cast %get3A_413 : vector<1x16xf32> to vector<16xf32>
        %add3A_415 = arith.addf %add3A_393, %get3A_414 : vector<16xf32>
        %get3A_416 = arith.index_cast %scan3A_405 : i32 to index
        %get3A_417 = arith.constant 32 : index
        %get3A_418 = tpu.vector_load %arg6[%get3A_416, %get3A_417] {strides = array<i32>} : memref<200x64xf32, #tpu.memory_space<vmem>>, vector<1x16xf32>,
        %get3A_419 = vector.shape_cast %get3A_418 : vector<1x16xf32> to vector<16xf32>
        %add3A_420 = arith.addf %add3A_398, %get3A_419 : vector<16xf32>
        %get3A_421 = arith.index_cast %scan3A_405 : i32 to index
        %get3A_422 = arith.constant 48 : index
        %get3A_423 = tpu.vector_load %arg6[%get3A_421, %get3A_422] {strides = array<i32>} : memref<200x64xf32, #tpu.memory_space<vmem>>, vector<1x16xf32>,
        %get3A_424 = vector.shape_cast %get3A_423 : vector<1x16xf32> to vector<16xf32>
        %add3A_425 = arith.addf %add3A_403, %get3A_424 : vector<16xf32>
        scf.yield %add3A_410, %add3A_415, %add3A_420, %add3A_425 : vector<16xf32>, vector<16xf32>, vector<16xf32>, vector<16xf32>
      }
      %scan3A_123 = arith.constant 200 : i32
      %swap3A = arith.index_cast %add3A_93 : i32 to index
      %swap3A_124 = arith.constant 0 : index
      %swap3A_125 = tpu.vector_load %arg10[%swap3A, %swap3A_124] {strides = array<i32>} : memref<128x64xf32, #tpu.memory_space<vmem>>, vector<1x16xf32>,
      %swap3A_126 = vector.shape_cast %swap3A_125 : vector<1x16xf32> to vector<16xf32>
      %swap3A_127 = vector.shape_cast %scan3A_122#0 : vector<16xf32> to vector<1x16xf32>
      tpu.vector_store %arg10[%swap3A, %swap3A_124], %swap3A_127 {strides = array<i32>} : memref<128x64xf32, #tpu.memory_space<vmem>>, vector<1x16xf32>,
      %swap3A_128 = arith.index_cast %add3A_93 : i32 to index
      %swap3A_129 = arith.constant 16 : index
      %swap3A_130 = tpu.vector_load %arg10[%swap3A_128, %swap3A_129] {strides = array<i32>} : memref<128x64xf32, #tpu.memory_space<vmem>>, vector<1x16xf32>,
      %swap3A_131 = vector.shape_cast %swap3A_130 : vector<1x16xf32> to vector<16xf32>
      %swap3A_132 = vector.shape_cast %scan3A_122#1 : vector<16xf32> to vector<1x16xf32>
      tpu.vector_store %arg10[%swap3A_128, %swap3A_129], %swap3A_132 {strides = array<i32>} : memref<128x64xf32, #tpu.memory_space<vmem>>, vector<1x16xf32>,
      %swap3A_133 = arith.index_cast %add3A_93 : i32 to index
      %swap3A_134 = arith.constant 32 : index
      %swap3A_135 = tpu.vector_load %arg10[%swap3A_133, %swap3A_134] {strides = array<i32>} : memref<128x64xf32, #tpu.memory_space<vmem>>, vector<1x16xf32>,
      %swap3A_136 = vector.shape_cast %swap3A_135 : vector<1x16xf32> to vector<16xf32>
      %swap3A_137 = vector.shape_cast %scan3A_122#2 : vector<16xf32> to vector<1x16xf32>
      tpu.vector_store %arg10[%swap3A_133, %swap3A_134], %swap3A_137 {strides = array<i32>} : memref<128x64xf32, #tpu.memory_space<vmem>>, vector<1x16xf32>,
      %swap3A_138 = arith.index_cast %add3A_93 : i32 to index
      %swap3A_139 = arith.constant 48 : index
      %swap3A_140 = tpu.vector_load %arg10[%swap3A_138, %swap3A_139] {strides = array<i32>} : memref<128x64xf32, #tpu.memory_space<vmem>>, vector<1x16xf32>,
      %swap3A_141 = vector.shape_cast %swap3A_140 : vector<1x16xf32> to vector<16xf32>
      %swap3A_142 = vector.shape_cast %scan3A_122#3 : vector<16xf32> to vector<1x16xf32>
      tpu.vector_store %arg10[%swap3A_138, %swap3A_139], %swap3A_142 {strides = array<i32>} : memref<128x64xf32, #tpu.memory_space<vmem>>, vector<1x16xf32>,
      %add3A_143 = arith.constant 4 : i32
      %add3A_144 = arith.addi %add3A_93, %add3A_143 : i32
      %lt3A = arith.constant 128 : i32
      %lt3A_145 = arith.cmpi slt, %add3A_144, %lt3A : i32
      %convert_element_type3A = arith.extui %lt3A_145 : i1 to i32
      %cond3A = arith.constant 0 : i32
      %cond3A_146 = arith.cmpi ne, %convert_element_type3A, %cond3A : i32
      scf.if %cond3A_146 {
        %add3A_336 = arith.constant 4 : i32
        %add3A_337 = arith.addi %add3A_93, %add3A_336 : i32
        %mul3A_338 = arith.constant 2 : i32
        %mul3A_339 = arith.muli %mul3A_338, %add3A_337 : i32
        %dma_start3A_340 = arith.constant 0 : i32
        %dma_start3A_341 = arith.constant 0 : i32
        %dma_start3A_342 = tpu.memref_slice %arg6[%dma_start3A_340, %dma_start3A_341] : memref<200x64xf32, #tpu.memory_space<vmem>> -> memref<100x64xf32, #tpu.memory_space<vmem>>
        %dma_start3A_343 = arith.constant 0 : i32
        %dma_start3A_344 = tpu.memref_slice %arg5[%mul3A_339, %dma_start3A_343] : memref<256x100xi32, #tpu.memory_space<vmem>> -> memref<1x100xi32, #tpu.memory_space<vmem>>
        %dma_start3A_345 = tpu.memref_squeeze %dma_start3A_344 : memref<1x100xi32, #tpu.memory_space<vmem>> -> memref<100xi32, #tpu.memory_space<vmem>>
        %dma_start3A_346 = arith.constant 0 : i32
        %dma_start3A_347 = arith.constant 0 : i32
        %dma_start3A_348 = tpu.memref_slice %arg2[%dma_start3A_346, %dma_start3A_347] : memref<1000000x64xf32, #tpu.memory_space<hbm>> -> memref<1000000x64xf32, #tpu.memory_space<hbm>>
        tpu.enqueue_indirect_dma source(%dma_start3A_348 : memref<1000000x64xf32, #tpu.memory_space<hbm>>) target(%dma_start3A_342 : memref<100x64xf32, #tpu.memory_space<vmem>>) offsets(%dma_start3A_345 : memref<100xi32, #tpu.memory_space<vmem>>) semaphore(%arg11 : memref<!tpu.dma_semaphore, #tpu.memory_space<semaphore_mem>>)
        %mul3A_349 = arith.constant 2 : i32
        %mul3A_350 = arith.muli %mul3A_349, %add3A_337 : i32
        %add3A_351 = arith.constant 1 : i32
        %add3A_352 = arith.addi %mul3A_350, %add3A_351 : i32
        %dma_start3A_353 = arith.constant 100 : i32
        %dma_start3A_354 = arith.constant 0 : i32
        %dma_start3A_355 = tpu.memref_slice %arg6[%dma_start3A_353, %dma_start3A_354] : memref<200x64xf32, #tpu.memory_space<vmem>> -> memref<100x64xf32, #tpu.memory_space<vmem>>
        %dma_start3A_356 = arith.constant 0 : i32
        %dma_start3A_357 = tpu.memref_slice %arg5[%add3A_352, %dma_start3A_356] : memref<256x100xi32, #tpu.memory_space<vmem>> -> memref<1x100xi32, #tpu.memory_space<vmem>>
        %dma_start3A_358 = tpu.memref_squeeze %dma_start3A_357 : memref<1x100xi32, #tpu.memory_space<vmem>> -> memref<100xi32, #tpu.memory_space<vmem>>
        %dma_start3A_359 = arith.constant 0 : i32
        %dma_start3A_360 = arith.constant 0 : i32
        %dma_start3A_361 = tpu.memref_slice %arg2[%dma_start3A_359, %dma_start3A_360] : memref<1000000x64xf32, #tpu.memory_space<hbm>> -> memref<1000000x64xf32, #tpu.memory_space<hbm>>
        tpu.enqueue_indirect_dma source(%dma_start3A_361 : memref<1000000x64xf32, #tpu.memory_space<hbm>>) target(%dma_start3A_355 : memref<100x64xf32, #tpu.memory_space<vmem>>) offsets(%dma_start3A_358 : memref<100xi32, #tpu.memory_space<vmem>>) semaphore(%arg11 : memref<!tpu.dma_semaphore, #tpu.memory_space<semaphore_mem>>)
      } else {
      }
      %mul3A_147 = arith.constant 4 : i32
      %mul3A_148 = arith.muli %scan3A_89, %mul3A_147 : i32
      %add3A_149 = arith.constant 1 : i32
      %add3A_150 = arith.addi %mul3A_148, %add3A_149 : i32
      %mul3A_151 = arith.constant 2 : i32
      %mul3A_152 = arith.muli %mul3A_151, %add3A_150 : i32
      %dma_wait3A_153 = arith.constant 0 : i32
      %dma_wait3A_154 = arith.constant 0 : i32
      %dma_wait3A_155 = tpu.memref_slice %arg7[%dma_wait3A_153, %dma_wait3A_154] : memref<200x64xf32, #tpu.memory_space<vmem>> -> memref<100x64xf32, #tpu.memory_space<vmem>>
      %dma_wait3A_156 = arith.constant 0 : i32
      %dma_wait3A_157 = tpu.memref_slice %arg5[%mul3A_152, %dma_wait3A_156] : memref<256x100xi32, #tpu.memory_space<vmem>> -> memref<1x100xi32, #tpu.memory_space<vmem>>
      %dma_wait3A_158 = tpu.memref_squeeze %dma_wait3A_157 : memref<1x100xi32, #tpu.memory_space<vmem>> -> memref<100xi32, #tpu.memory_space<vmem>>
      %dma_wait3A_159 = arith.constant 0 : i32
      %dma_wait3A_160 = arith.constant 0 : i32
      %dma_wait3A_161 = tpu.memref_slice %arg2[%dma_wait3A_159, %dma_wait3A_160] : memref<1000000x64xf32, #tpu.memory_space<hbm>> -> memref<1000000x64xf32, #tpu.memory_space<hbm>>
      tpu.wait_indirect_dma semaphore(%arg12 : memref<!tpu.dma_semaphore, #tpu.memory_space<semaphore_mem>>) src(%dma_wait3A_161 : memref<1000000x64xf32, #tpu.memory_space<hbm>>) dst(%dma_wait3A_155 : memref<100x64xf32, #tpu.memory_space<vmem>>)
      %mul3A_162 = arith.constant 2 : i32
      %mul3A_163 = arith.muli %mul3A_162, %add3A_150 : i32
      %add3A_164 = arith.constant 1 : i32
      %add3A_165 = arith.addi %mul3A_163, %add3A_164 : i32
      %dma_wait3A_166 = arith.constant 100 : i32
      %dma_wait3A_167 = arith.constant 0 : i32
      %dma_wait3A_168 = tpu.memref_slice %arg7[%dma_wait3A_166, %dma_wait3A_167] : memref<200x64xf32, #tpu.memory_space<vmem>> -> memref<100x64xf32, #tpu.memory_space<vmem>>
      %dma_wait3A_169 = arith.constant 0 : i32
      %dma_wait3A_170 = tpu.memref_slice %arg5[%add3A_165, %dma_wait3A_169] : memref<256x100xi32, #tpu.memory_space<vmem>> -> memref<1x100xi32, #tpu.memory_space<vmem>>
      %dma_wait3A_171 = tpu.memref_squeeze %dma_wait3A_170 : memref<1x100xi32, #tpu.memory_space<vmem>> -> memref<100xi32, #tpu.memory_space<vmem>>
      %dma_wait3A_172 = arith.constant 0 : i32
      %dma_wait3A_173 = arith.constant 0 : i32
      %dma_wait3A_174 = tpu.memref_slice %arg2[%dma_wait3A_172, %dma_wait3A_173] : memref<1000000x64xf32, #tpu.memory_space<hbm>> -> memref<1000000x64xf32, #tpu.memory_space<hbm>>
      tpu.wait_indirect_dma semaphore(%arg12 : memref<!tpu.dma_semaphore, #tpu.memory_space<semaphore_mem>>) src(%dma_wait3A_174 : memref<1000000x64xf32, #tpu.memory_space<hbm>>) dst(%dma_wait3A_168 : memref<100x64xf32, #tpu.memory_space<vmem>>)
      %broadcast_in_dim3A_175 = arith.constant 0.000000e+00 : f32
      %broadcast_in_dim3A_176 = vector.broadcast %broadcast_in_dim3A_175 : f32 to vector<16xf32>
      %scan3A_177 = arith.constant 0 : i32
      %scan3A_178 = arith.constant 200 : i32
      %scan3A_179 = arith.addi %scan3A_177, %scan3A_178 : i32
      %scan3A_180 = arith.constant 4 : i32
      %scan3A_181:4 = scf.for %scan3A_336 = %scan3A_177 to %scan3A_179 step %scan3A_180 iter_args(%scan3A_337 = %broadcast_in_dim3A_176, %scan3A_338 = %broadcast_in_dim3A_176, %scan3A_339 = %broadcast_in_dim3A_176, %scan3A_340 = %broadcast_in_dim3A_176) -> (vector<16xf32>, vector<16xf32>, vector<16xf32>, vector<16xf32>)  : i32 {
        %get3A = arith.index_cast %scan3A_336 : i32 to index
        %get3A_341 = arith.constant 0 : index
        %get3A_342 = tpu.vector_load %arg7[%get3A, %get3A_341] {strides = array<i32>} : memref<200x64xf32, #tpu.memory_space<vmem>>, vector<1x16xf32>,
        %get3A_343 = vector.shape_cast %get3A_342 : vector<1x16xf32> to vector<16xf32>
        %add3A_344 = arith.addf %scan3A_337, %get3A_343 : vector<16xf32>
        %get3A_345 = arith.index_cast %scan3A_336 : i32 to index
        %get3A_346 = arith.constant 16 : index
        %get3A_347 = tpu.vector_load %arg7[%get3A_345, %get3A_346] {strides = array<i32>} : memref<200x64xf32, #tpu.memory_space<vmem>>, vector<1x16xf32>,
        %get3A_348 = vector.shape_cast %get3A_347 : vector<1x16xf32> to vector<16xf32>
        %add3A_349 = arith.addf %scan3A_338, %get3A_348 : vector<16xf32>
        %get3A_350 = arith.index_cast %scan3A_336 : i32 to index
        %get3A_351 = arith.constant 32 : index
        %get3A_352 = tpu.vector_load %arg7[%get3A_350, %get3A_351] {strides = array<i32>} : memref<200x64xf32, #tpu.memory_space<vmem>>, vector<1x16xf32>,
        %get3A_353 = vector.shape_cast %get3A_352 : vector<1x16xf32> to vector<16xf32>
        %add3A_354 = arith.addf %scan3A_339, %get3A_353 : vector<16xf32>
        %get3A_355 = arith.index_cast %scan3A_336 : i32 to index
        %get3A_356 = arith.constant 48 : index
        %get3A_357 = tpu.vector_load %arg7[%get3A_355, %get3A_356] {strides = array<i32>} : memref<200x64xf32, #tpu.memory_space<vmem>>, vector<1x16xf32>,
        %get3A_358 = vector.shape_cast %get3A_357 : vector<1x16xf32> to vector<16xf32>
        %add3A_359 = arith.addf %scan3A_340, %get3A_358 : vector<16xf32>
        %scan3A_360 = arith.constant 1 : i32
        %scan3A_361 = arith.addi %scan3A_336, %scan3A_360 : i32
        %get3A_362 = arith.index_cast %scan3A_361 : i32 to index
        %get3A_363 = arith.constant 0 : index
        %get3A_364 = tpu.vector_load %arg7[%get3A_362, %get3A_363] {strides = array<i32>} : memref<200x64xf32, #tpu.memory_space<vmem>>, vector<1x16xf32>,
        %get3A_365 = vector.shape_cast %get3A_364 : vector<1x16xf32> to vector<16xf32>
        %add3A_366 = arith.addf %add3A_344, %get3A_365 : vector<16xf32>
        %get3A_367 = arith.index_cast %scan3A_361 : i32 to index
        %get3A_368 = arith.constant 16 : index
        %get3A_369 = tpu.vector_load %arg7[%get3A_367, %get3A_368] {strides = array<i32>} : memref<200x64xf32, #tpu.memory_space<vmem>>, vector<1x16xf32>,
        %get3A_370 = vector.shape_cast %get3A_369 : vector<1x16xf32> to vector<16xf32>
        %add3A_371 = arith.addf %add3A_349, %get3A_370 : vector<16xf32>
        %get3A_372 = arith.index_cast %scan3A_361 : i32 to index
        %get3A_373 = arith.constant 32 : index
        %get3A_374 = tpu.vector_load %arg7[%get3A_372, %get3A_373] {strides = array<i32>} : memref<200x64xf32, #tpu.memory_space<vmem>>, vector<1x16xf32>,
        %get3A_375 = vector.shape_cast %get3A_374 : vector<1x16xf32> to vector<16xf32>
        %add3A_376 = arith.addf %add3A_354, %get3A_375 : vector<16xf32>
        %get3A_377 = arith.index_cast %scan3A_361 : i32 to index
        %get3A_378 = arith.constant 48 : index
        %get3A_379 = tpu.vector_load %arg7[%get3A_377, %get3A_378] {strides = array<i32>} : memref<200x64xf32, #tpu.memory_space<vmem>>, vector<1x16xf32>,
        %get3A_380 = vector.shape_cast %get3A_379 : vector<1x16xf32> to vector<16xf32>
        %add3A_381 = arith.addf %add3A_359, %get3A_380 : vector<16xf32>
        %scan3A_382 = arith.constant 2 : i32
        %scan3A_383 = arith.addi %scan3A_336, %scan3A_382 : i32
        %get3A_384 = arith.index_cast %scan3A_383 : i32 to index
        %get3A_385 = arith.constant 0 : index
        %get3A_386 = tpu.vector_load %arg7[%get3A_384, %get3A_385] {strides = array<i32>} : memref<200x64xf32, #tpu.memory_space<vmem>>, vector<1x16xf32>,
        %get3A_387 = vector.shape_cast %get3A_386 : vector<1x16xf32> to vector<16xf32>
        %add3A_388 = arith.addf %add3A_366, %get3A_387 : vector<16xf32>
        %get3A_389 = arith.index_cast %scan3A_383 : i32 to index
        %get3A_390 = arith.constant 16 : index
        %get3A_391 = tpu.vector_load %arg7[%get3A_389, %get3A_390] {strides = array<i32>} : memref<200x64xf32, #tpu.memory_space<vmem>>, vector<1x16xf32>,
        %get3A_392 = vector.shape_cast %get3A_391 : vector<1x16xf32> to vector<16xf32>
        %add3A_393 = arith.addf %add3A_371, %get3A_392 : vector<16xf32>
        %get3A_394 = arith.index_cast %scan3A_383 : i32 to index
        %get3A_395 = arith.constant 32 : index
        %get3A_396 = tpu.vector_load %arg7[%get3A_394, %get3A_395] {strides = array<i32>} : memref<200x64xf32, #tpu.memory_space<vmem>>, vector<1x16xf32>,
        %get3A_397 = vector.shape_cast %get3A_396 : vector<1x16xf32> to vector<16xf32>
        %add3A_398 = arith.addf %add3A_376, %get3A_397 : vector<16xf32>
        %get3A_399 = arith.index_cast %scan3A_383 : i32 to index
        %get3A_400 = arith.constant 48 : index
        %get3A_401 = tpu.vector_load %arg7[%get3A_399, %get3A_400] {strides = array<i32>} : memref<200x64xf32, #tpu.memory_space<vmem>>, vector<1x16xf32>,
        %get3A_402 = vector.shape_cast %get3A_401 : vector<1x16xf32> to vector<16xf32>
        %add3A_403 = arith.addf %add3A_381, %get3A_402 : vector<16xf32>
        %scan3A_404 = arith.constant 3 : i32
        %scan3A_405 = arith.addi %scan3A_336, %scan3A_404 : i32
        %get3A_406 = arith.index_cast %scan3A_405 : i32 to index
        %get3A_407 = arith.constant 0 : index
        %get3A_408 = tpu.vector_load %arg7[%get3A_406, %get3A_407] {strides = array<i32>} : memref<200x64xf32, #tpu.memory_space<vmem>>, vector<1x16xf32>,
        %get3A_409 = vector.shape_cast %get3A_408 : vector<1x16xf32> to vector<16xf32>
        %add3A_410 = arith.addf %add3A_388, %get3A_409 : vector<16xf32>
        %get3A_411 = arith.index_cast %scan3A_405 : i32 to index
        %get3A_412 = arith.constant 16 : index
        %get3A_413 = tpu.vector_load %arg7[%get3A_411, %get3A_412] {strides = array<i32>} : memref<200x64xf32, #tpu.memory_space<vmem>>, vector<1x16xf32>,
        %get3A_414 = vector.shape_cast %get3A_413 : vector<1x16xf32> to vector<16xf32>
        %add3A_415 = arith.addf %add3A_393, %get3A_414 : vector<16xf32>
        %get3A_416 = arith.index_cast %scan3A_405 : i32 to index
        %get3A_417 = arith.constant 32 : index
        %get3A_418 = tpu.vector_load %arg7[%get3A_416, %get3A_417] {strides = array<i32>} : memref<200x64xf32, #tpu.memory_space<vmem>>, vector<1x16xf32>,
        %get3A_419 = vector.shape_cast %get3A_418 : vector<1x16xf32> to vector<16xf32>
        %add3A_420 = arith.addf %add3A_398, %get3A_419 : vector<16xf32>
        %get3A_421 = arith.index_cast %scan3A_405 : i32 to index
        %get3A_422 = arith.constant 48 : index
        %get3A_423 = tpu.vector_load %arg7[%get3A_421, %get3A_422] {strides = array<i32>} : memref<200x64xf32, #tpu.memory_space<vmem>>, vector<1x16xf32>,
        %get3A_424 = vector.shape_cast %get3A_423 : vector<1x16xf32> to vector<16xf32>
        %add3A_425 = arith.addf %add3A_403, %get3A_424 : vector<16xf32>
        scf.yield %add3A_410, %add3A_415, %add3A_420, %add3A_425 : vector<16xf32>, vector<16xf32>, vector<16xf32>, vector<16xf32>
      }
      %scan3A_182 = arith.constant 200 : i32
      %swap3A_183 = arith.index_cast %add3A_150 : i32 to index
      %swap3A_184 = arith.constant 0 : index
      %swap3A_185 = tpu.vector_load %arg10[%swap3A_183, %swap3A_184] {strides = array<i32>} : memref<128x64xf32, #tpu.memory_space<vmem>>, vector<1x16xf32>,
      %swap3A_186 = vector.shape_cast %swap3A_185 : vector<1x16xf32> to vector<16xf32>
      %swap3A_187 = vector.shape_cast %scan3A_181#0 : vector<16xf32> to vector<1x16xf32>
      tpu.vector_store %arg10[%swap3A_183, %swap3A_184], %swap3A_187 {strides = array<i32>} : memref<128x64xf32, #tpu.memory_space<vmem>>, vector<1x16xf32>,
      %swap3A_188 = arith.index_cast %add3A_150 : i32 to index
      %swap3A_189 = arith.constant 16 : index
      %swap3A_190 = tpu.vector_load %arg10[%swap3A_188, %swap3A_189] {strides = array<i32>} : memref<128x64xf32, #tpu.memory_space<vmem>>, vector<1x16xf32>,
      %swap3A_191 = vector.shape_cast %swap3A_190 : vector<1x16xf32> to vector<16xf32>
      %swap3A_192 = vector.shape_cast %scan3A_181#1 : vector<16xf32> to vector<1x16xf32>
      tpu.vector_store %arg10[%swap3A_188, %swap3A_189], %swap3A_192 {strides = array<i32>} : memref<128x64xf32, #tpu.memory_space<vmem>>, vector<1x16xf32>,
      %swap3A_193 = arith.index_cast %add3A_150 : i32 to index
      %swap3A_194 = arith.constant 32 : index
      %swap3A_195 = tpu.vector_load %arg10[%swap3A_193, %swap3A_194] {strides = array<i32>} : memref<128x64xf32, #tpu.memory_space<vmem>>, vector<1x16xf32>,
      %swap3A_196 = vector.shape_cast %swap3A_195 : vector<1x16xf32> to vector<16xf32>
      %swap3A_197 = vector.shape_cast %scan3A_181#2 : vector<16xf32> to vector<1x16xf32>
      tpu.vector_store %arg10[%swap3A_193, %swap3A_194], %swap3A_197 {strides = array<i32>} : memref<128x64xf32, #tpu.memory_space<vmem>>, vector<1x16xf32>,
      %swap3A_198 = arith.index_cast %add3A_150 : i32 to index
      %swap3A_199 = arith.constant 48 : index
      %swap3A_200 = tpu.vector_load %arg10[%swap3A_198, %swap3A_199] {strides = array<i32>} : memref<128x64xf32, #tpu.memory_space<vmem>>, vector<1x16xf32>,
      %swap3A_201 = vector.shape_cast %swap3A_200 : vector<1x16xf32> to vector<16xf32>
      %swap3A_202 = vector.shape_cast %scan3A_181#3 : vector<16xf32> to vector<1x16xf32>
      tpu.vector_store %arg10[%swap3A_198, %swap3A_199], %swap3A_202 {strides = array<i32>} : memref<128x64xf32, #tpu.memory_space<vmem>>, vector<1x16xf32>,
      %add3A_203 = arith.constant 4 : i32
      %add3A_204 = arith.addi %add3A_150, %add3A_203 : i32
      %lt3A_205 = arith.constant 128 : i32
      %lt3A_206 = arith.cmpi slt, %add3A_204, %lt3A_205 : i32
      %convert_element_type3A_207 = arith.extui %lt3A_206 : i1 to i32
      %cond3A_208 = arith.constant 0 : i32
      %cond3A_209 = arith.cmpi ne, %convert_element_type3A_207, %cond3A_208 : i32
      scf.if %cond3A_209 {
        %add3A_336 = arith.constant 4 : i32
        %add3A_337 = arith.addi %add3A_150, %add3A_336 : i32
        %mul3A_338 = arith.constant 2 : i32
        %mul3A_339 = arith.muli %mul3A_338, %add3A_337 : i32
        %dma_start3A_340 = arith.constant 0 : i32
        %dma_start3A_341 = arith.constant 0 : i32
        %dma_start3A_342 = tpu.memref_slice %arg7[%dma_start3A_340, %dma_start3A_341] : memref<200x64xf32, #tpu.memory_space<vmem>> -> memref<100x64xf32, #tpu.memory_space<vmem>>
        %dma_start3A_343 = arith.constant 0 : i32
        %dma_start3A_344 = tpu.memref_slice %arg5[%mul3A_339, %dma_start3A_343] : memref<256x100xi32, #tpu.memory_space<vmem>> -> memref<1x100xi32, #tpu.memory_space<vmem>>
        %dma_start3A_345 = tpu.memref_squeeze %dma_start3A_344 : memref<1x100xi32, #tpu.memory_space<vmem>> -> memref<100xi32, #tpu.memory_space<vmem>>
        %dma_start3A_346 = arith.constant 0 : i32
        %dma_start3A_347 = arith.constant 0 : i32
        %dma_start3A_348 = tpu.memref_slice %arg2[%dma_start3A_346, %dma_start3A_347] : memref<1000000x64xf32, #tpu.memory_space<hbm>> -> memref<1000000x64xf32, #tpu.memory_space<hbm>>
        tpu.enqueue_indirect_dma source(%dma_start3A_348 : memref<1000000x64xf32, #tpu.memory_space<hbm>>) target(%dma_start3A_342 : memref<100x64xf32, #tpu.memory_space<vmem>>) offsets(%dma_start3A_345 : memref<100xi32, #tpu.memory_space<vmem>>) semaphore(%arg12 : memref<!tpu.dma_semaphore, #tpu.memory_space<semaphore_mem>>)
        %mul3A_349 = arith.constant 2 : i32
        %mul3A_350 = arith.muli %mul3A_349, %add3A_337 : i32
        %add3A_351 = arith.constant 1 : i32
        %add3A_352 = arith.addi %mul3A_350, %add3A_351 : i32
        %dma_start3A_353 = arith.constant 100 : i32
        %dma_start3A_354 = arith.constant 0 : i32
        %dma_start3A_355 = tpu.memref_slice %arg7[%dma_start3A_353, %dma_start3A_354] : memref<200x64xf32, #tpu.memory_space<vmem>> -> memref<100x64xf32, #tpu.memory_space<vmem>>
        %dma_start3A_356 = arith.constant 0 : i32
        %dma_start3A_357 = tpu.memref_slice %arg5[%add3A_352, %dma_start3A_356] : memref<256x100xi32, #tpu.memory_space<vmem>> -> memref<1x100xi32, #tpu.memory_space<vmem>>
        %dma_start3A_358 = tpu.memref_squeeze %dma_start3A_357 : memref<1x100xi32, #tpu.memory_space<vmem>> -> memref<100xi32, #tpu.memory_space<vmem>>
        %dma_start3A_359 = arith.constant 0 : i32
        %dma_start3A_360 = arith.constant 0 : i32
        %dma_start3A_361 = tpu.memref_slice %arg2[%dma_start3A_359, %dma_start3A_360] : memref<1000000x64xf32, #tpu.memory_space<hbm>> -> memref<1000000x64xf32, #tpu.memory_space<hbm>>
        tpu.enqueue_indirect_dma source(%dma_start3A_361 : memref<1000000x64xf32, #tpu.memory_space<hbm>>) target(%dma_start3A_355 : memref<100x64xf32, #tpu.memory_space<vmem>>) offsets(%dma_start3A_358 : memref<100xi32, #tpu.memory_space<vmem>>) semaphore(%arg12 : memref<!tpu.dma_semaphore, #tpu.memory_space<semaphore_mem>>)
      } else {
      }
      %mul3A_210 = arith.constant 4 : i32
      %mul3A_211 = arith.muli %scan3A_89, %mul3A_210 : i32
      %add3A_212 = arith.constant 2 : i32
      %add3A_213 = arith.addi %mul3A_211, %add3A_212 : i32
      %mul3A_214 = arith.constant 2 : i32
      %mul3A_215 = arith.muli %mul3A_214, %add3A_213 : i32
      %dma_wait3A_216 = arith.constant 0 : i32
      %dma_wait3A_217 = arith.constant 0 : i32
      %dma_wait3A_218 = tpu.memref_slice %arg8[%dma_wait3A_216, %dma_wait3A_217] : memref<200x64xf32, #tpu.memory_space<vmem>> -> memref<100x64xf32, #tpu.memory_space<vmem>>
      %dma_wait3A_219 = arith.constant 0 : i32
      %dma_wait3A_220 = tpu.memref_slice %arg5[%mul3A_215, %dma_wait3A_219] : memref<256x100xi32, #tpu.memory_space<vmem>> -> memref<1x100xi32, #tpu.memory_space<vmem>>
      %dma_wait3A_221 = tpu.memref_squeeze %dma_wait3A_220 : memref<1x100xi32, #tpu.memory_space<vmem>> -> memref<100xi32, #tpu.memory_space<vmem>>
      %dma_wait3A_222 = arith.constant 0 : i32
      %dma_wait3A_223 = arith.constant 0 : i32
      %dma_wait3A_224 = tpu.memref_slice %arg2[%dma_wait3A_222, %dma_wait3A_223] : memref<1000000x64xf32, #tpu.memory_space<hbm>> -> memref<1000000x64xf32, #tpu.memory_space<hbm>>
      tpu.wait_indirect_dma semaphore(%arg13 : memref<!tpu.dma_semaphore, #tpu.memory_space<semaphore_mem>>) src(%dma_wait3A_224 : memref<1000000x64xf32, #tpu.memory_space<hbm>>) dst(%dma_wait3A_218 : memref<100x64xf32, #tpu.memory_space<vmem>>)
      %mul3A_225 = arith.constant 2 : i32
      %mul3A_226 = arith.muli %mul3A_225, %add3A_213 : i32
      %add3A_227 = arith.constant 1 : i32
      %add3A_228 = arith.addi %mul3A_226, %add3A_227 : i32
      %dma_wait3A_229 = arith.constant 100 : i32
      %dma_wait3A_230 = arith.constant 0 : i32
      %dma_wait3A_231 = tpu.memref_slice %arg8[%dma_wait3A_229, %dma_wait3A_230] : memref<200x64xf32, #tpu.memory_space<vmem>> -> memref<100x64xf32, #tpu.memory_space<vmem>>
      %dma_wait3A_232 = arith.constant 0 : i32
      %dma_wait3A_233 = tpu.memref_slice %arg5[%add3A_228, %dma_wait3A_232] : memref<256x100xi32, #tpu.memory_space<vmem>> -> memref<1x100xi32, #tpu.memory_space<vmem>>
      %dma_wait3A_234 = tpu.memref_squeeze %dma_wait3A_233 : memref<1x100xi32, #tpu.memory_space<vmem>> -> memref<100xi32, #tpu.memory_space<vmem>>
      %dma_wait3A_235 = arith.constant 0 : i32
      %dma_wait3A_236 = arith.constant 0 : i32
      %dma_wait3A_237 = tpu.memref_slice %arg2[%dma_wait3A_235, %dma_wait3A_236] : memref<1000000x64xf32, #tpu.memory_space<hbm>> -> memref<1000000x64xf32, #tpu.memory_space<hbm>>
      tpu.wait_indirect_dma semaphore(%arg13 : memref<!tpu.dma_semaphore, #tpu.memory_space<semaphore_mem>>) src(%dma_wait3A_237 : memref<1000000x64xf32, #tpu.memory_space<hbm>>) dst(%dma_wait3A_231 : memref<100x64xf32, #tpu.memory_space<vmem>>)
      %broadcast_in_dim3A_238 = arith.constant 0.000000e+00 : f32
      %broadcast_in_dim3A_239 = vector.broadcast %broadcast_in_dim3A_238 : f32 to vector<16xf32>
      %scan3A_240 = arith.constant 0 : i32
      %scan3A_241 = arith.constant 200 : i32
      %scan3A_242 = arith.addi %scan3A_240, %scan3A_241 : i32
      %scan3A_243 = arith.constant 4 : i32
      %scan3A_244:4 = scf.for %scan3A_336 = %scan3A_240 to %scan3A_242 step %scan3A_243 iter_args(%scan3A_337 = %broadcast_in_dim3A_239, %scan3A_338 = %broadcast_in_dim3A_239, %scan3A_339 = %broadcast_in_dim3A_239, %scan3A_340 = %broadcast_in_dim3A_239) -> (vector<16xf32>, vector<16xf32>, vector<16xf32>, vector<16xf32>)  : i32 {
        %get3A = arith.index_cast %scan3A_336 : i32 to index
        %get3A_341 = arith.constant 0 : index
        %get3A_342 = tpu.vector_load %arg8[%get3A, %get3A_341] {strides = array<i32>} : memref<200x64xf32, #tpu.memory_space<vmem>>, vector<1x16xf32>,
        %get3A_343 = vector.shape_cast %get3A_342 : vector<1x16xf32> to vector<16xf32>
        %add3A_344 = arith.addf %scan3A_337, %get3A_343 : vector<16xf32>
        %get3A_345 = arith.index_cast %scan3A_336 : i32 to index
        %get3A_346 = arith.constant 16 : index
        %get3A_347 = tpu.vector_load %arg8[%get3A_345, %get3A_346] {strides = array<i32>} : memref<200x64xf32, #tpu.memory_space<vmem>>, vector<1x16xf32>,
        %get3A_348 = vector.shape_cast %get3A_347 : vector<1x16xf32> to vector<16xf32>
        %add3A_349 = arith.addf %scan3A_338, %get3A_348 : vector<16xf32>
        %get3A_350 = arith.index_cast %scan3A_336 : i32 to index
        %get3A_351 = arith.constant 32 : index
        %get3A_352 = tpu.vector_load %arg8[%get3A_350, %get3A_351] {strides = array<i32>} : memref<200x64xf32, #tpu.memory_space<vmem>>, vector<1x16xf32>,
        %get3A_353 = vector.shape_cast %get3A_352 : vector<1x16xf32> to vector<16xf32>
        %add3A_354 = arith.addf %scan3A_339, %get3A_353 : vector<16xf32>
        %get3A_355 = arith.index_cast %scan3A_336 : i32 to index
        %get3A_356 = arith.constant 48 : index
        %get3A_357 = tpu.vector_load %arg8[%get3A_355, %get3A_356] {strides = array<i32>} : memref<200x64xf32, #tpu.memory_space<vmem>>, vector<1x16xf32>,
        %get3A_358 = vector.shape_cast %get3A_357 : vector<1x16xf32> to vector<16xf32>
        %add3A_359 = arith.addf %scan3A_340, %get3A_358 : vector<16xf32>
        %scan3A_360 = arith.constant 1 : i32
        %scan3A_361 = arith.addi %scan3A_336, %scan3A_360 : i32
        %get3A_362 = arith.index_cast %scan3A_361 : i32 to index
        %get3A_363 = arith.constant 0 : index
        %get3A_364 = tpu.vector_load %arg8[%get3A_362, %get3A_363] {strides = array<i32>} : memref<200x64xf32, #tpu.memory_space<vmem>>, vector<1x16xf32>,
        %get3A_365 = vector.shape_cast %get3A_364 : vector<1x16xf32> to vector<16xf32>
        %add3A_366 = arith.addf %add3A_344, %get3A_365 : vector<16xf32>
        %get3A_367 = arith.index_cast %scan3A_361 : i32 to index
        %get3A_368 = arith.constant 16 : index
        %get3A_369 = tpu.vector_load %arg8[%get3A_367, %get3A_368] {strides = array<i32>} : memref<200x64xf32, #tpu.memory_space<vmem>>, vector<1x16xf32>,
        %get3A_370 = vector.shape_cast %get3A_369 : vector<1x16xf32> to vector<16xf32>
        %add3A_371 = arith.addf %add3A_349, %get3A_370 : vector<16xf32>
        %get3A_372 = arith.index_cast %scan3A_361 : i32 to index
        %get3A_373 = arith.constant 32 : index
        %get3A_374 = tpu.vector_load %arg8[%get3A_372, %get3A_373] {strides = array<i32>} : memref<200x64xf32, #tpu.memory_space<vmem>>, vector<1x16xf32>,
        %get3A_375 = vector.shape_cast %get3A_374 : vector<1x16xf32> to vector<16xf32>
        %add3A_376 = arith.addf %add3A_354, %get3A_375 : vector<16xf32>
        %get3A_377 = arith.index_cast %scan3A_361 : i32 to index
        %get3A_378 = arith.constant 48 : index
        %get3A_379 = tpu.vector_load %arg8[%get3A_377, %get3A_378] {strides = array<i32>} : memref<200x64xf32, #tpu.memory_space<vmem>>, vector<1x16xf32>,
        %get3A_380 = vector.shape_cast %get3A_379 : vector<1x16xf32> to vector<16xf32>
        %add3A_381 = arith.addf %add3A_359, %get3A_380 : vector<16xf32>
        %scan3A_382 = arith.constant 2 : i32
        %scan3A_383 = arith.addi %scan3A_336, %scan3A_382 : i32
        %get3A_384 = arith.index_cast %scan3A_383 : i32 to index
        %get3A_385 = arith.constant 0 : index
        %get3A_386 = tpu.vector_load %arg8[%get3A_384, %get3A_385] {strides = array<i32>} : memref<200x64xf32, #tpu.memory_space<vmem>>, vector<1x16xf32>,
        %get3A_387 = vector.shape_cast %get3A_386 : vector<1x16xf32> to vector<16xf32>
        %add3A_388 = arith.addf %add3A_366, %get3A_387 : vector<16xf32>
        %get3A_389 = arith.index_cast %scan3A_383 : i32 to index
        %get3A_390 = arith.constant 16 : index
        %get3A_391 = tpu.vector_load %arg8[%get3A_389, %get3A_390] {strides = array<i32>} : memref<200x64xf32, #tpu.memory_space<vmem>>, vector<1x16xf32>,
        %get3A_392 = vector.shape_cast %get3A_391 : vector<1x16xf32> to vector<16xf32>
        %add3A_393 = arith.addf %add3A_371, %get3A_392 : vector<16xf32>
        %get3A_394 = arith.index_cast %scan3A_383 : i32 to index
        %get3A_395 = arith.constant 32 : index
        %get3A_396 = tpu.vector_load %arg8[%get3A_394, %get3A_395] {strides = array<i32>} : memref<200x64xf32, #tpu.memory_space<vmem>>, vector<1x16xf32>,
        %get3A_397 = vector.shape_cast %get3A_396 : vector<1x16xf32> to vector<16xf32>
        %add3A_398 = arith.addf %add3A_376, %get3A_397 : vector<16xf32>
        %get3A_399 = arith.index_cast %scan3A_383 : i32 to index
        %get3A_400 = arith.constant 48 : index
        %get3A_401 = tpu.vector_load %arg8[%get3A_399, %get3A_400] {strides = array<i32>} : memref<200x64xf32, #tpu.memory_space<vmem>>, vector<1x16xf32>,
        %get3A_402 = vector.shape_cast %get3A_401 : vector<1x16xf32> to vector<16xf32>
        %add3A_403 = arith.addf %add3A_381, %get3A_402 : vector<16xf32>
        %scan3A_404 = arith.constant 3 : i32
        %scan3A_405 = arith.addi %scan3A_336, %scan3A_404 : i32
        %get3A_406 = arith.index_cast %scan3A_405 : i32 to index
        %get3A_407 = arith.constant 0 : index
        %get3A_408 = tpu.vector_load %arg8[%get3A_406, %get3A_407] {strides = array<i32>} : memref<200x64xf32, #tpu.memory_space<vmem>>, vector<1x16xf32>,
        %get3A_409 = vector.shape_cast %get3A_408 : vector<1x16xf32> to vector<16xf32>
        %add3A_410 = arith.addf %add3A_388, %get3A_409 : vector<16xf32>
        %get3A_411 = arith.index_cast %scan3A_405 : i32 to index
        %get3A_412 = arith.constant 16 : index
        %get3A_413 = tpu.vector_load %arg8[%get3A_411, %get3A_412] {strides = array<i32>} : memref<200x64xf32, #tpu.memory_space<vmem>>, vector<1x16xf32>,
        %get3A_414 = vector.shape_cast %get3A_413 : vector<1x16xf32> to vector<16xf32>
        %add3A_415 = arith.addf %add3A_393, %get3A_414 : vector<16xf32>
        %get3A_416 = arith.index_cast %scan3A_405 : i32 to index
        %get3A_417 = arith.constant 32 : index
        %get3A_418 = tpu.vector_load %arg8[%get3A_416, %get3A_417] {strides = array<i32>} : memref<200x64xf32, #tpu.memory_space<vmem>>, vector<1x16xf32>,
        %get3A_419 = vector.shape_cast %get3A_418 : vector<1x16xf32> to vector<16xf32>
        %add3A_420 = arith.addf %add3A_398, %get3A_419 : vector<16xf32>
        %get3A_421 = arith.index_cast %scan3A_405 : i32 to index
        %get3A_422 = arith.constant 48 : index
        %get3A_423 = tpu.vector_load %arg8[%get3A_421, %get3A_422] {strides = array<i32>} : memref<200x64xf32, #tpu.memory_space<vmem>>, vector<1x16xf32>,
        %get3A_424 = vector.shape_cast %get3A_423 : vector<1x16xf32> to vector<16xf32>
        %add3A_425 = arith.addf %add3A_403, %get3A_424 : vector<16xf32>
        scf.yield %add3A_410, %add3A_415, %add3A_420, %add3A_425 : vector<16xf32>, vector<16xf32>, vector<16xf32>, vector<16xf32>
      }
      %scan3A_245 = arith.constant 200 : i32
      %swap3A_246 = arith.index_cast %add3A_213 : i32 to index
      %swap3A_247 = arith.constant 0 : index
      %swap3A_248 = tpu.vector_load %arg10[%swap3A_246, %swap3A_247] {strides = array<i32>} : memref<128x64xf32, #tpu.memory_space<vmem>>, vector<1x16xf32>,
      %swap3A_249 = vector.shape_cast %swap3A_248 : vector<1x16xf32> to vector<16xf32>
      %swap3A_250 = vector.shape_cast %scan3A_244#0 : vector<16xf32> to vector<1x16xf32>
      tpu.vector_store %arg10[%swap3A_246, %swap3A_247], %swap3A_250 {strides = array<i32>} : memref<128x64xf32, #tpu.memory_space<vmem>>, vector<1x16xf32>,
      %swap3A_251 = arith.index_cast %add3A_213 : i32 to index
      %swap3A_252 = arith.constant 16 : index
      %swap3A_253 = tpu.vector_load %arg10[%swap3A_251, %swap3A_252] {strides = array<i32>} : memref<128x64xf32, #tpu.memory_space<vmem>>, vector<1x16xf32>,
      %swap3A_254 = vector.shape_cast %swap3A_253 : vector<1x16xf32> to vector<16xf32>
      %swap3A_255 = vector.shape_cast %scan3A_244#1 : vector<16xf32> to vector<1x16xf32>
      tpu.vector_store %arg10[%swap3A_251, %swap3A_252], %swap3A_255 {strides = array<i32>} : memref<128x64xf32, #tpu.memory_space<vmem>>, vector<1x16xf32>,
      %swap3A_256 = arith.index_cast %add3A_213 : i32 to index
      %swap3A_257 = arith.constant 32 : index
      %swap3A_258 = tpu.vector_load %arg10[%swap3A_256, %swap3A_257] {strides = array<i32>} : memref<128x64xf32, #tpu.memory_space<vmem>>, vector<1x16xf32>,
      %swap3A_259 = vector.shape_cast %swap3A_258 : vector<1x16xf32> to vector<16xf32>
      %swap3A_260 = vector.shape_cast %scan3A_244#2 : vector<16xf32> to vector<1x16xf32>
      tpu.vector_store %arg10[%swap3A_256, %swap3A_257], %swap3A_260 {strides = array<i32>} : memref<128x64xf32, #tpu.memory_space<vmem>>, vector<1x16xf32>,
      %swap3A_261 = arith.index_cast %add3A_213 : i32 to index
      %swap3A_262 = arith.constant 48 : index
      %swap3A_263 = tpu.vector_load %arg10[%swap3A_261, %swap3A_262] {strides = array<i32>} : memref<128x64xf32, #tpu.memory_space<vmem>>, vector<1x16xf32>,
      %swap3A_264 = vector.shape_cast %swap3A_263 : vector<1x16xf32> to vector<16xf32>
      %swap3A_265 = vector.shape_cast %scan3A_244#3 : vector<16xf32> to vector<1x16xf32>
      tpu.vector_store %arg10[%swap3A_261, %swap3A_262], %swap3A_265 {strides = array<i32>} : memref<128x64xf32, #tpu.memory_space<vmem>>, vector<1x16xf32>,
      %add3A_266 = arith.constant 4 : i32
      %add3A_267 = arith.addi %add3A_213, %add3A_266 : i32
      %lt3A_268 = arith.constant 128 : i32
      %lt3A_269 = arith.cmpi slt, %add3A_267, %lt3A_268 : i32
      %convert_element_type3A_270 = arith.extui %lt3A_269 : i1 to i32
      %cond3A_271 = arith.constant 0 : i32
      %cond3A_272 = arith.cmpi ne, %convert_element_type3A_270, %cond3A_271 : i32
      scf.if %cond3A_272 {
        %add3A_336 = arith.constant 4 : i32
        %add3A_337 = arith.addi %add3A_213, %add3A_336 : i32
        %mul3A_338 = arith.constant 2 : i32
        %mul3A_339 = arith.muli %mul3A_338, %add3A_337 : i32
        %dma_start3A_340 = arith.constant 0 : i32
        %dma_start3A_341 = arith.constant 0 : i32
        %dma_start3A_342 = tpu.memref_slice %arg8[%dma_start3A_340, %dma_start3A_341] : memref<200x64xf32, #tpu.memory_space<vmem>> -> memref<100x64xf32, #tpu.memory_space<vmem>>
        %dma_start3A_343 = arith.constant 0 : i32
        %dma_start3A_344 = tpu.memref_slice %arg5[%mul3A_339, %dma_start3A_343] : memref<256x100xi32, #tpu.memory_space<vmem>> -> memref<1x100xi32, #tpu.memory_space<vmem>>
        %dma_start3A_345 = tpu.memref_squeeze %dma_start3A_344 : memref<1x100xi32, #tpu.memory_space<vmem>> -> memref<100xi32, #tpu.memory_space<vmem>>
        %dma_start3A_346 = arith.constant 0 : i32
        %dma_start3A_347 = arith.constant 0 : i32
        %dma_start3A_348 = tpu.memref_slice %arg2[%dma_start3A_346, %dma_start3A_347] : memref<1000000x64xf32, #tpu.memory_space<hbm>> -> memref<1000000x64xf32, #tpu.memory_space<hbm>>
        tpu.enqueue_indirect_dma source(%dma_start3A_348 : memref<1000000x64xf32, #tpu.memory_space<hbm>>) target(%dma_start3A_342 : memref<100x64xf32, #tpu.memory_space<vmem>>) offsets(%dma_start3A_345 : memref<100xi32, #tpu.memory_space<vmem>>) semaphore(%arg13 : memref<!tpu.dma_semaphore, #tpu.memory_space<semaphore_mem>>)
        %mul3A_349 = arith.constant 2 : i32
        %mul3A_350 = arith.muli %mul3A_349, %add3A_337 : i32
        %add3A_351 = arith.constant 1 : i32
        %add3A_352 = arith.addi %mul3A_350, %add3A_351 : i32
        %dma_start3A_353 = arith.constant 100 : i32
        %dma_start3A_354 = arith.constant 0 : i32
        %dma_start3A_355 = tpu.memref_slice %arg8[%dma_start3A_353, %dma_start3A_354] : memref<200x64xf32, #tpu.memory_space<vmem>> -> memref<100x64xf32, #tpu.memory_space<vmem>>
        %dma_start3A_356 = arith.constant 0 : i32
        %dma_start3A_357 = tpu.memref_slice %arg5[%add3A_352, %dma_start3A_356] : memref<256x100xi32, #tpu.memory_space<vmem>> -> memref<1x100xi32, #tpu.memory_space<vmem>>
        %dma_start3A_358 = tpu.memref_squeeze %dma_start3A_357 : memref<1x100xi32, #tpu.memory_space<vmem>> -> memref<100xi32, #tpu.memory_space<vmem>>
        %dma_start3A_359 = arith.constant 0 : i32
        %dma_start3A_360 = arith.constant 0 : i32
        %dma_start3A_361 = tpu.memref_slice %arg2[%dma_start3A_359, %dma_start3A_360] : memref<1000000x64xf32, #tpu.memory_space<hbm>> -> memref<1000000x64xf32, #tpu.memory_space<hbm>>
        tpu.enqueue_indirect_dma source(%dma_start3A_361 : memref<1000000x64xf32, #tpu.memory_space<hbm>>) target(%dma_start3A_355 : memref<100x64xf32, #tpu.memory_space<vmem>>) offsets(%dma_start3A_358 : memref<100xi32, #tpu.memory_space<vmem>>) semaphore(%arg13 : memref<!tpu.dma_semaphore, #tpu.memory_space<semaphore_mem>>)
      } else {
      }
      %mul3A_273 = arith.constant 4 : i32
      %mul3A_274 = arith.muli %scan3A_89, %mul3A_273 : i32
      %add3A_275 = arith.constant 3 : i32
      %add3A_276 = arith.addi %mul3A_274, %add3A_275 : i32
      %mul3A_277 = arith.constant 2 : i32
      %mul3A_278 = arith.muli %mul3A_277, %add3A_276 : i32
      %dma_wait3A_279 = arith.constant 0 : i32
      %dma_wait3A_280 = arith.constant 0 : i32
      %dma_wait3A_281 = tpu.memref_slice %arg9[%dma_wait3A_279, %dma_wait3A_280] : memref<200x64xf32, #tpu.memory_space<vmem>> -> memref<100x64xf32, #tpu.memory_space<vmem>>
      %dma_wait3A_282 = arith.constant 0 : i32
      %dma_wait3A_283 = tpu.memref_slice %arg5[%mul3A_278, %dma_wait3A_282] : memref<256x100xi32, #tpu.memory_space<vmem>> -> memref<1x100xi32, #tpu.memory_space<vmem>>
      %dma_wait3A_284 = tpu.memref_squeeze %dma_wait3A_283 : memref<1x100xi32, #tpu.memory_space<vmem>> -> memref<100xi32, #tpu.memory_space<vmem>>
      %dma_wait3A_285 = arith.constant 0 : i32
      %dma_wait3A_286 = arith.constant 0 : i32
      %dma_wait3A_287 = tpu.memref_slice %arg2[%dma_wait3A_285, %dma_wait3A_286] : memref<1000000x64xf32, #tpu.memory_space<hbm>> -> memref<1000000x64xf32, #tpu.memory_space<hbm>>
      tpu.wait_indirect_dma semaphore(%arg14 : memref<!tpu.dma_semaphore, #tpu.memory_space<semaphore_mem>>) src(%dma_wait3A_287 : memref<1000000x64xf32, #tpu.memory_space<hbm>>) dst(%dma_wait3A_281 : memref<100x64xf32, #tpu.memory_space<vmem>>)
      %mul3A_288 = arith.constant 2 : i32
      %mul3A_289 = arith.muli %mul3A_288, %add3A_276 : i32
      %add3A_290 = arith.constant 1 : i32
      %add3A_291 = arith.addi %mul3A_289, %add3A_290 : i32
      %dma_wait3A_292 = arith.constant 100 : i32
      %dma_wait3A_293 = arith.constant 0 : i32
      %dma_wait3A_294 = tpu.memref_slice %arg9[%dma_wait3A_292, %dma_wait3A_293] : memref<200x64xf32, #tpu.memory_space<vmem>> -> memref<100x64xf32, #tpu.memory_space<vmem>>
      %dma_wait3A_295 = arith.constant 0 : i32
      %dma_wait3A_296 = tpu.memref_slice %arg5[%add3A_291, %dma_wait3A_295] : memref<256x100xi32, #tpu.memory_space<vmem>> -> memref<1x100xi32, #tpu.memory_space<vmem>>
      %dma_wait3A_297 = tpu.memref_squeeze %dma_wait3A_296 : memref<1x100xi32, #tpu.memory_space<vmem>> -> memref<100xi32, #tpu.memory_space<vmem>>
      %dma_wait3A_298 = arith.constant 0 : i32
      %dma_wait3A_299 = arith.constant 0 : i32
      %dma_wait3A_300 = tpu.memref_slice %arg2[%dma_wait3A_298, %dma_wait3A_299] : memref<1000000x64xf32, #tpu.memory_space<hbm>> -> memref<1000000x64xf32, #tpu.memory_space<hbm>>
      tpu.wait_indirect_dma semaphore(%arg14 : memref<!tpu.dma_semaphore, #tpu.memory_space<semaphore_mem>>) src(%dma_wait3A_300 : memref<1000000x64xf32, #tpu.memory_space<hbm>>) dst(%dma_wait3A_294 : memref<100x64xf32, #tpu.memory_space<vmem>>)
      %broadcast_in_dim3A_301 = arith.constant 0.000000e+00 : f32
      %broadcast_in_dim3A_302 = vector.broadcast %broadcast_in_dim3A_301 : f32 to vector<16xf32>
      %scan3A_303 = arith.constant 0 : i32
      %scan3A_304 = arith.constant 200 : i32
      %scan3A_305 = arith.addi %scan3A_303, %scan3A_304 : i32
      %scan3A_306 = arith.constant 4 : i32
      %scan3A_307:4 = scf.for %scan3A_336 = %scan3A_303 to %scan3A_305 step %scan3A_306 iter_args(%scan3A_337 = %broadcast_in_dim3A_302, %scan3A_338 = %broadcast_in_dim3A_302, %scan3A_339 = %broadcast_in_dim3A_302, %scan3A_340 = %broadcast_in_dim3A_302) -> (vector<16xf32>, vector<16xf32>, vector<16xf32>, vector<16xf32>)  : i32 {
        %get3A = arith.index_cast %scan3A_336 : i32 to index
        %get3A_341 = arith.constant 0 : index
        %get3A_342 = tpu.vector_load %arg9[%get3A, %get3A_341] {strides = array<i32>} : memref<200x64xf32, #tpu.memory_space<vmem>>, vector<1x16xf32>,
        %get3A_343 = vector.shape_cast %get3A_342 : vector<1x16xf32> to vector<16xf32>
        %add3A_344 = arith.addf %scan3A_337, %get3A_343 : vector<16xf32>
        %get3A_345 = arith.index_cast %scan3A_336 : i32 to index
        %get3A_346 = arith.constant 16 : index
        %get3A_347 = tpu.vector_load %arg9[%get3A_345, %get3A_346] {strides = array<i32>} : memref<200x64xf32, #tpu.memory_space<vmem>>, vector<1x16xf32>,
        %get3A_348 = vector.shape_cast %get3A_347 : vector<1x16xf32> to vector<16xf32>
        %add3A_349 = arith.addf %scan3A_338, %get3A_348 : vector<16xf32>
        %get3A_350 = arith.index_cast %scan3A_336 : i32 to index
        %get3A_351 = arith.constant 32 : index
        %get3A_352 = tpu.vector_load %arg9[%get3A_350, %get3A_351] {strides = array<i32>} : memref<200x64xf32, #tpu.memory_space<vmem>>, vector<1x16xf32>,
        %get3A_353 = vector.shape_cast %get3A_352 : vector<1x16xf32> to vector<16xf32>
        %add3A_354 = arith.addf %scan3A_339, %get3A_353 : vector<16xf32>
        %get3A_355 = arith.index_cast %scan3A_336 : i32 to index
        %get3A_356 = arith.constant 48 : index
        %get3A_357 = tpu.vector_load %arg9[%get3A_355, %get3A_356] {strides = array<i32>} : memref<200x64xf32, #tpu.memory_space<vmem>>, vector<1x16xf32>,
        %get3A_358 = vector.shape_cast %get3A_357 : vector<1x16xf32> to vector<16xf32>
        %add3A_359 = arith.addf %scan3A_340, %get3A_358 : vector<16xf32>
        %scan3A_360 = arith.constant 1 : i32
        %scan3A_361 = arith.addi %scan3A_336, %scan3A_360 : i32
        %get3A_362 = arith.index_cast %scan3A_361 : i32 to index
        %get3A_363 = arith.constant 0 : index
        %get3A_364 = tpu.vector_load %arg9[%get3A_362, %get3A_363] {strides = array<i32>} : memref<200x64xf32, #tpu.memory_space<vmem>>, vector<1x16xf32>,
        %get3A_365 = vector.shape_cast %get3A_364 : vector<1x16xf32> to vector<16xf32>
        %add3A_366 = arith.addf %add3A_344, %get3A_365 : vector<16xf32>
        %get3A_367 = arith.index_cast %scan3A_361 : i32 to index
        %get3A_368 = arith.constant 16 : index
        %get3A_369 = tpu.vector_load %arg9[%get3A_367, %get3A_368] {strides = array<i32>} : memref<200x64xf32, #tpu.memory_space<vmem>>, vector<1x16xf32>,
        %get3A_370 = vector.shape_cast %get3A_369 : vector<1x16xf32> to vector<16xf32>
        %add3A_371 = arith.addf %add3A_349, %get3A_370 : vector<16xf32>
        %get3A_372 = arith.index_cast %scan3A_361 : i32 to index
        %get3A_373 = arith.constant 32 : index
        %get3A_374 = tpu.vector_load %arg9[%get3A_372, %get3A_373] {strides = array<i32>} : memref<200x64xf32, #tpu.memory_space<vmem>>, vector<1x16xf32>,
        %get3A_375 = vector.shape_cast %get3A_374 : vector<1x16xf32> to vector<16xf32>
        %add3A_376 = arith.addf %add3A_354, %get3A_375 : vector<16xf32>
        %get3A_377 = arith.index_cast %scan3A_361 : i32 to index
        %get3A_378 = arith.constant 48 : index
        %get3A_379 = tpu.vector_load %arg9[%get3A_377, %get3A_378] {strides = array<i32>} : memref<200x64xf32, #tpu.memory_space<vmem>>, vector<1x16xf32>,
        %get3A_380 = vector.shape_cast %get3A_379 : vector<1x16xf32> to vector<16xf32>
        %add3A_381 = arith.addf %add3A_359, %get3A_380 : vector<16xf32>
        %scan3A_382 = arith.constant 2 : i32
        %scan3A_383 = arith.addi %scan3A_336, %scan3A_382 : i32
        %get3A_384 = arith.index_cast %scan3A_383 : i32 to index
        %get3A_385 = arith.constant 0 : index
        %get3A_386 = tpu.vector_load %arg9[%get3A_384, %get3A_385] {strides = array<i32>} : memref<200x64xf32, #tpu.memory_space<vmem>>, vector<1x16xf32>,
        %get3A_387 = vector.shape_cast %get3A_386 : vector<1x16xf32> to vector<16xf32>
        %add3A_388 = arith.addf %add3A_366, %get3A_387 : vector<16xf32>
        %get3A_389 = arith.index_cast %scan3A_383 : i32 to index
        %get3A_390 = arith.constant 16 : index
        %get3A_391 = tpu.vector_load %arg9[%get3A_389, %get3A_390] {strides = array<i32>} : memref<200x64xf32, #tpu.memory_space<vmem>>, vector<1x16xf32>,
        %get3A_392 = vector.shape_cast %get3A_391 : vector<1x16xf32> to vector<16xf32>
        %add3A_393 = arith.addf %add3A_371, %get3A_392 : vector<16xf32>
        %get3A_394 = arith.index_cast %scan3A_383 : i32 to index
        %get3A_395 = arith.constant 32 : index
        %get3A_396 = tpu.vector_load %arg9[%get3A_394, %get3A_395] {strides = array<i32>} : memref<200x64xf32, #tpu.memory_space<vmem>>, vector<1x16xf32>,
        %get3A_397 = vector.shape_cast %get3A_396 : vector<1x16xf32> to vector<16xf32>
        %add3A_398 = arith.addf %add3A_376, %get3A_397 : vector<16xf32>
        %get3A_399 = arith.index_cast %scan3A_383 : i32 to index
        %get3A_400 = arith.constant 48 : index
        %get3A_401 = tpu.vector_load %arg9[%get3A_399, %get3A_400] {strides = array<i32>} : memref<200x64xf32, #tpu.memory_space<vmem>>, vector<1x16xf32>,
        %get3A_402 = vector.shape_cast %get3A_401 : vector<1x16xf32> to vector<16xf32>
        %add3A_403 = arith.addf %add3A_381, %get3A_402 : vector<16xf32>
        %scan3A_404 = arith.constant 3 : i32
        %scan3A_405 = arith.addi %scan3A_336, %scan3A_404 : i32
        %get3A_406 = arith.index_cast %scan3A_405 : i32 to index
        %get3A_407 = arith.constant 0 : index
        %get3A_408 = tpu.vector_load %arg9[%get3A_406, %get3A_407] {strides = array<i32>} : memref<200x64xf32, #tpu.memory_space<vmem>>, vector<1x16xf32>,
        %get3A_409 = vector.shape_cast %get3A_408 : vector<1x16xf32> to vector<16xf32>
        %add3A_410 = arith.addf %add3A_388, %get3A_409 : vector<16xf32>
        %get3A_411 = arith.index_cast %scan3A_405 : i32 to index
        %get3A_412 = arith.constant 16 : index
        %get3A_413 = tpu.vector_load %arg9[%get3A_411, %get3A_412] {strides = array<i32>} : memref<200x64xf32, #tpu.memory_space<vmem>>, vector<1x16xf32>,
        %get3A_414 = vector.shape_cast %get3A_413 : vector<1x16xf32> to vector<16xf32>
        %add3A_415 = arith.addf %add3A_393, %get3A_414 : vector<16xf32>
        %get3A_416 = arith.index_cast %scan3A_405 : i32 to index
        %get3A_417 = arith.constant 32 : index
        %get3A_418 = tpu.vector_load %arg9[%get3A_416, %get3A_417] {strides = array<i32>} : memref<200x64xf32, #tpu.memory_space<vmem>>, vector<1x16xf32>,
        %get3A_419 = vector.shape_cast %get3A_418 : vector<1x16xf32> to vector<16xf32>
        %add3A_420 = arith.addf %add3A_398, %get3A_419 : vector<16xf32>
        %get3A_421 = arith.index_cast %scan3A_405 : i32 to index
        %get3A_422 = arith.constant 48 : index
        %get3A_423 = tpu.vector_load %arg9[%get3A_421, %get3A_422] {strides = array<i32>} : memref<200x64xf32, #tpu.memory_space<vmem>>, vector<1x16xf32>,
        %get3A_424 = vector.shape_cast %get3A_423 : vector<1x16xf32> to vector<16xf32>
        %add3A_425 = arith.addf %add3A_403, %get3A_424 : vector<16xf32>
        scf.yield %add3A_410, %add3A_415, %add3A_420, %add3A_425 : vector<16xf32>, vector<16xf32>, vector<16xf32>, vector<16xf32>
      }
      %scan3A_308 = arith.constant 200 : i32
      %swap3A_309 = arith.index_cast %add3A_276 : i32 to index
      %swap3A_310 = arith.constant 0 : index
      %swap3A_311 = tpu.vector_load %arg10[%swap3A_309, %swap3A_310] {strides = array<i32>} : memref<128x64xf32, #tpu.memory_space<vmem>>, vector<1x16xf32>,
      %swap3A_312 = vector.shape_cast %swap3A_311 : vector<1x16xf32> to vector<16xf32>
      %swap3A_313 = vector.shape_cast %scan3A_307#0 : vector<16xf32> to vector<1x16xf32>
      tpu.vector_store %arg10[%swap3A_309, %swap3A_310], %swap3A_313 {strides = array<i32>} : memref<128x64xf32, #tpu.memory_space<vmem>>, vector<1x16xf32>,
      %swap3A_314 = arith.index_cast %add3A_276 : i32 to index
      %swap3A_315 = arith.constant 16 : index
      %swap3A_316 = tpu.vector_load %arg10[%swap3A_314, %swap3A_315] {strides = array<i32>} : memref<128x64xf32, #tpu.memory_space<vmem>>, vector<1x16xf32>,
      %swap3A_317 = vector.shape_cast %swap3A_316 : vector<1x16xf32> to vector<16xf32>
      %swap3A_318 = vector.shape_cast %scan3A_307#1 : vector<16xf32> to vector<1x16xf32>
      tpu.vector_store %arg10[%swap3A_314, %swap3A_315], %swap3A_318 {strides = array<i32>} : memref<128x64xf32, #tpu.memory_space<vmem>>, vector<1x16xf32>,
      %swap3A_319 = arith.index_cast %add3A_276 : i32 to index
      %swap3A_320 = arith.constant 32 : index
      %swap3A_321 = tpu.vector_load %arg10[%swap3A_319, %swap3A_320] {strides = array<i32>} : memref<128x64xf32, #tpu.memory_space<vmem>>, vector<1x16xf32>,
      %swap3A_322 = vector.shape_cast %swap3A_321 : vector<1x16xf32> to vector<16xf32>
      %swap3A_323 = vector.shape_cast %scan3A_307#2 : vector<16xf32> to vector<1x16xf32>
      tpu.vector_store %arg10[%swap3A_319, %swap3A_320], %swap3A_323 {strides = array<i32>} : memref<128x64xf32, #tpu.memory_space<vmem>>, vector<1x16xf32>,
      %swap3A_324 = arith.index_cast %add3A_276 : i32 to index
      %swap3A_325 = arith.constant 48 : index
      %swap3A_326 = tpu.vector_load %arg10[%swap3A_324, %swap3A_325] {strides = array<i32>} : memref<128x64xf32, #tpu.memory_space<vmem>>, vector<1x16xf32>,
      %swap3A_327 = vector.shape_cast %swap3A_326 : vector<1x16xf32> to vector<16xf32>
      %swap3A_328 = vector.shape_cast %scan3A_307#3 : vector<16xf32> to vector<1x16xf32>
      tpu.vector_store %arg10[%swap3A_324, %swap3A_325], %swap3A_328 {strides = array<i32>} : memref<128x64xf32, #tpu.memory_space<vmem>>, vector<1x16xf32>,
      %add3A_329 = arith.constant 4 : i32
      %add3A_330 = arith.addi %add3A_276, %add3A_329 : i32
      %lt3A_331 = arith.constant 128 : i32
      %lt3A_332 = arith.cmpi slt, %add3A_330, %lt3A_331 : i32
      %convert_element_type3A_333 = arith.extui %lt3A_332 : i1 to i32
      %cond3A_334 = arith.constant 0 : i32
      %cond3A_335 = arith.cmpi ne, %convert_element_type3A_333, %cond3A_334 : i32
      scf.if %cond3A_335 {
        %add3A_336 = arith.constant 4 : i32
        %add3A_337 = arith.addi %add3A_276, %add3A_336 : i32
        %mul3A_338 = arith.constant 2 : i32
        %mul3A_339 = arith.muli %mul3A_338, %add3A_337 : i32
        %dma_start3A_340 = arith.constant 0 : i32
        %dma_start3A_341 = arith.constant 0 : i32
        %dma_start3A_342 = tpu.memref_slice %arg9[%dma_start3A_340, %dma_start3A_341] : memref<200x64xf32, #tpu.memory_space<vmem>> -> memref<100x64xf32, #tpu.memory_space<vmem>>
        %dma_start3A_343 = arith.constant 0 : i32
        %dma_start3A_344 = tpu.memref_slice %arg5[%mul3A_339, %dma_start3A_343] : memref<256x100xi32, #tpu.memory_space<vmem>> -> memref<1x100xi32, #tpu.memory_space<vmem>>
        %dma_start3A_345 = tpu.memref_squeeze %dma_start3A_344 : memref<1x100xi32, #tpu.memory_space<vmem>> -> memref<100xi32, #tpu.memory_space<vmem>>
        %dma_start3A_346 = arith.constant 0 : i32
        %dma_start3A_347 = arith.constant 0 : i32
        %dma_start3A_348 = tpu.memref_slice %arg2[%dma_start3A_346, %dma_start3A_347] : memref<1000000x64xf32, #tpu.memory_space<hbm>> -> memref<1000000x64xf32, #tpu.memory_space<hbm>>
        tpu.enqueue_indirect_dma source(%dma_start3A_348 : memref<1000000x64xf32, #tpu.memory_space<hbm>>) target(%dma_start3A_342 : memref<100x64xf32, #tpu.memory_space<vmem>>) offsets(%dma_start3A_345 : memref<100xi32, #tpu.memory_space<vmem>>) semaphore(%arg14 : memref<!tpu.dma_semaphore, #tpu.memory_space<semaphore_mem>>)
        %mul3A_349 = arith.constant 2 : i32
        %mul3A_350 = arith.muli %mul3A_349, %add3A_337 : i32
        %add3A_351 = arith.constant 1 : i32
        %add3A_352 = arith.addi %mul3A_350, %add3A_351 : i32
        %dma_start3A_353 = arith.constant 100 : i32
        %dma_start3A_354 = arith.constant 0 : i32
        %dma_start3A_355 = tpu.memref_slice %arg9[%dma_start3A_353, %dma_start3A_354] : memref<200x64xf32, #tpu.memory_space<vmem>> -> memref<100x64xf32, #tpu.memory_space<vmem>>
        %dma_start3A_356 = arith.constant 0 : i32
        %dma_start3A_357 = tpu.memref_slice %arg5[%add3A_352, %dma_start3A_356] : memref<256x100xi32, #tpu.memory_space<vmem>> -> memref<1x100xi32, #tpu.memory_space<vmem>>
        %dma_start3A_358 = tpu.memref_squeeze %dma_start3A_357 : memref<1x100xi32, #tpu.memory_space<vmem>> -> memref<100xi32, #tpu.memory_space<vmem>>
        %dma_start3A_359 = arith.constant 0 : i32
        %dma_start3A_360 = arith.constant 0 : i32
        %dma_start3A_361 = tpu.memref_slice %arg2[%dma_start3A_359, %dma_start3A_360] : memref<1000000x64xf32, #tpu.memory_space<hbm>> -> memref<1000000x64xf32, #tpu.memory_space<hbm>>
        tpu.enqueue_indirect_dma source(%dma_start3A_361 : memref<1000000x64xf32, #tpu.memory_space<hbm>>) target(%dma_start3A_355 : memref<100x64xf32, #tpu.memory_space<vmem>>) offsets(%dma_start3A_358 : memref<100xi32, #tpu.memory_space<vmem>>) semaphore(%arg14 : memref<!tpu.dma_semaphore, #tpu.memory_space<semaphore_mem>>)
      } else {
      }
    }
    %scan3A_88 = arith.constant 32 : i32
    "tpu.region"() ({
      %run_scoped3A = tpu.sem_alloc : memref<!tpu.dma_semaphore, #tpu.memory_space<semaphore_mem>>
      %dma_start3A_89 = arith.constant 0 : i32
      %dma_start3A_90 = tpu.memref_slice %arg4[%mul3A_2, %dma_start3A_89] : memref<4096x64xf32, #tpu.memory_space<hbm>> -> memref<128x64xf32, #tpu.memory_space<hbm>>
      %dma_start3A_91 = arith.constant 0 : i32
      %dma_start3A_92 = tpu.memref_slice %arg4[%mul3A_2, %dma_start3A_91] : memref<4096x64xf32, #tpu.memory_space<hbm>> -> memref<128x64xf32, #tpu.memory_space<hbm>>
      tpu.enqueue_dma source(%arg10 : memref<128x64xf32, #tpu.memory_space<vmem>>) target(%dma_start3A_92 : memref<128x64xf32, #tpu.memory_space<hbm>>) target_semaphore(%run_scoped3A : memref<!tpu.dma_semaphore, #tpu.memory_space<semaphore_mem>>)
      %dma_wait3A = arith.constant 0 : i32
      %dma_wait3A_93 = tpu.memref_slice %arg4[%mul3A_2, %dma_wait3A] : memref<4096x64xf32, #tpu.memory_space<hbm>> -> memref<128x64xf32, #tpu.memory_space<hbm>>
      %dma_wait3A_94 = arith.constant 0 : i32
      %dma_wait3A_95 = tpu.memref_slice %arg4[%mul3A_2, %dma_wait3A_94] : memref<4096x64xf32, #tpu.memory_space<hbm>> -> memref<128x64xf32, #tpu.memory_space<hbm>>
      tpu.wait_dma2 semaphore(%run_scoped3A : memref<!tpu.dma_semaphore, #tpu.memory_space<semaphore_mem>>) src(%arg10 : memref<128x64xf32, #tpu.memory_space<vmem>>) dst(%dma_wait3A_95 : memref<128x64xf32, #tpu.memory_space<hbm>>)
      tpu.yield
    }) : () -> ()
    return
  }
}

module attributes {stable_mosaic.version = 14 : i64} {
  func.func @_mlp_body(%arg0: i32, %arg1: memref<512x64xf32, #tpu.memory_space<vmem>>, %arg2: memref<64x128xf32, #tpu.memory_space<vmem>>, %arg3: memref<1x128xf32, #tpu.memory_space<vmem>>, %arg4: memref<128x128xf32, #tpu.memory_space<vmem>>, %arg5: memref<1x128xf32, #tpu.memory_space<vmem>>, %arg6: memref<512x128xf32, #tpu.memory_space<vmem>>) attributes {dimension_semantics = [#tpu.dimension_semantics<arbitrary>], iteration_bounds = array<i64: 8>, scalar_prefetch = 0 : i64, scratch_operands = 0 : i64, tpu.core_type = #tpu.core_type<tc>, window_params = [{transform_indices = @transform_0, window_bounds = array<i64: 512, 64>}, {pipeline_mode = #tpu.pipeline_mode<synchronous>, transform_indices = @transform_1, window_bounds = array<i64: 64, 128>}, {pipeline_mode = #tpu.pipeline_mode<synchronous>, transform_indices = @transform_2, window_bounds = array<i64: 1, 128>}, {pipeline_mode = #tpu.pipeline_mode<synchronous>, transform_indices = @transform_3, window_bounds = array<i64: 128, 128>}, {pipeline_mode = #tpu.pipeline_mode<synchronous>, transform_indices = @transform_4, window_bounds = array<i64: 1, 128>}, {transform_indices = @transform_5, window_bounds = array<i64: 512, 128>}]} {
    %get3A = arith.constant 0 : index
    %get3A_0 = arith.constant 0 : index
    %get3A_1 = vector.load %arg1[%get3A, %get3A_0] : memref<512x64xf32, #tpu.memory_space<vmem>>, vector<512x64xf32>
    %mul3A = arith.constant 5.000000e-03 : f32
    %mul3A_2 = vector.broadcast %mul3A : f32 to vector<512x64xf32>
    %mul3A_3 = arith.mulf %get3A_1, %mul3A_2 : vector<512x64xf32>
    %get3A_4 = arith.constant 0 : index
    %get3A_5 = arith.constant 0 : index
    %get3A_6 = vector.load %arg2[%get3A_4, %get3A_5] : memref<64x128xf32, #tpu.memory_space<vmem>>, vector<64x128xf32>
    %dot_general3A = arith.constant dense<0.000000e+00> : vector<512x128xf32>
    %dot_general3A_7 = tpu.matmul %mul3A_3, %get3A_6, %dot_general3A {dimension_numbers = #tpu.dot_dimension_numbers<[1], [0], [0], [1], [0, 0, 1, 1], [], []>, transpose_lhs_hint = false} : vector<512x64xf32>, vector<64x128xf32>, vector<512x128xf32> -> vector<512x128xf32>
    %get3A_8 = arith.constant 0 : index
    %get3A_9 = arith.constant 0 : index
    %get3A_10 = vector.load %arg3[%get3A_8, %get3A_9] : memref<1x128xf32, #tpu.memory_space<vmem>>, vector<1x128xf32>
    %add3A = vector.broadcast %get3A_10 : vector<1x128xf32> to vector<512x128xf32>
    %add3A_11 = arith.addf %dot_general3A_7, %add3A : vector<512x128xf32>
    %max3A = arith.constant 0.000000e+00 : f32
    %max3A_12 = vector.broadcast %max3A : f32 to vector<512x128xf32>
    %max3A_13 = arith.maximumf %add3A_11, %max3A_12 : vector<512x128xf32>
    %get3A_14 = arith.constant 0 : index
    %get3A_15 = arith.constant 0 : index
    %get3A_16 = vector.load %arg4[%get3A_14, %get3A_15] : memref<128x128xf32, #tpu.memory_space<vmem>>, vector<128x128xf32>
    %dot_general3A_17 = arith.constant dense<0.000000e+00> : vector<512x128xf32>
    %dot_general3A_18 = tpu.matmul %max3A_13, %get3A_16, %dot_general3A_17 {dimension_numbers = #tpu.dot_dimension_numbers<[1], [0], [0], [1], [0, 0, 1, 1], [], []>, transpose_lhs_hint = false} : vector<512x128xf32>, vector<128x128xf32>, vector<512x128xf32> -> vector<512x128xf32>
    %get3A_19 = arith.constant 0 : index
    %get3A_20 = arith.constant 0 : index
    %get3A_21 = vector.load %arg5[%get3A_19, %get3A_20] : memref<1x128xf32, #tpu.memory_space<vmem>>, vector<1x128xf32>
    %add3A_22 = vector.broadcast %get3A_21 : vector<1x128xf32> to vector<512x128xf32>
    %add3A_23 = arith.addf %dot_general3A_18, %add3A_22 : vector<512x128xf32>
    %swap3A = arith.constant 0 : index
    %swap3A_24 = arith.constant 0 : index
    %swap3A_25 = vector.load %arg6[%swap3A, %swap3A_24] : memref<512x128xf32, #tpu.memory_space<vmem>>, vector<512x128xf32>
    tpu.vector_store %arg6[%swap3A, %swap3A_24], %add3A_23 {strides = array<i32>} : memref<512x128xf32, #tpu.memory_space<vmem>>, vector<512x128xf32>,
    return
  }
  func.func @transform_0(%arg0: i32) -> (i32, i32) {
    %c0_i32 = arith.constant 0 : i32
    %c0_i32_0 = arith.constant 0 : i32
    return %arg0, %c0_i32 : i32, i32
  }
  func.func @transform_1(%arg0: i32) -> (i32, i32) {
    %c0_i32 = arith.constant 0 : i32
    %c0_i32_0 = arith.constant 0 : i32
    %c0_i32_1 = arith.constant 0 : i32
    return %c0_i32, %c0_i32_0 : i32, i32
  }
  func.func @transform_2(%arg0: i32) -> (i32, i32) {
    %c0_i32 = arith.constant 0 : i32
    %c0_i32_0 = arith.constant 0 : i32
    %c0_i32_1 = arith.constant 0 : i32
    return %c0_i32, %c0_i32_0 : i32, i32
  }
  func.func @transform_3(%arg0: i32) -> (i32, i32) {
    %c0_i32 = arith.constant 0 : i32
    %c0_i32_0 = arith.constant 0 : i32
    %c0_i32_1 = arith.constant 0 : i32
    return %c0_i32, %c0_i32_0 : i32, i32
  }
  func.func @transform_4(%arg0: i32) -> (i32, i32) {
    %c0_i32 = arith.constant 0 : i32
    %c0_i32_0 = arith.constant 0 : i32
    %c0_i32_1 = arith.constant 0 : i32
    return %c0_i32, %c0_i32_0 : i32, i32
  }
  func.func @transform_5(%arg0: i32) -> (i32, i32) {
    %c0_i32 = arith.constant 0 : i32
    %c0_i32_0 = arith.constant 0 : i32
    return %arg0, %c0_i32 : i32, i32
  }
}

</mosaic_0001>

<sc_bundles>
// kernel: kernel.4.cloned.1.call-start
scs
__scs_entry_jumppad:
0x0: {  	(pc) =	sbr.rel $0x88, $3  }
0x1: {  	(tag) =	ssettag $0x0;
	lr =	simm.s32 $0x1  }
0x2: {  	[smem:$0x3F9B] =	sst lr;
	_ =	strace $0xD0000000  }
0x3: {  	_ = 	snop  }
0x4: {  	_ = 	snop  }
0x5: {  	_ = 	snop  }
0x6: {  	_ = 	snop  }
0x7: {  	_ = 	snop  }
__scs_overlays_trampoline_lowered:
0x8: {  	[smem:$0x3FAA] =	sst s0  }
0x9: {  	[smem:$0x3FAB] =	sst s1  }
0xa: {  	[smem:$0x3FAC] =	sst s2  }
0xb: {  	[smem:$0x3FAD] =	sst s3  }
0xc: {  	[smem:$0x3FAE] =	sst s4  }
0xd: {  	[smem:$0x3FAF] =	sst s5  }
0xe: {  	[smem:$0x3FB0] =	sst s6  }
0xf: {  	[smem:$0x3FB1] =	sst s7  }
0x10: {  	[smem:$0x3FB2] =	sst s8  }
0x11: {  	[smem:$0x3FB3] =	sst s9;
	s0 =	simm.s32 @!p0 $0x0  }
0x12: {  	s1 =	sld [smem:$0x3F99];
	s0 =	simm.s32 @p0 $0x1  }
0x13: {  	[smem:$0x3FB4] =	sst s0;
	s0 =	simm.s32 @!p1 $0x0  }
0x14: {  	s2 =	sld [smem:$0x3F98];
	s0 =	simm.s32 @p1 $0x1  }
0x15: {  	[smem:$0x3FB5] =	sst s0;
	s0 =	simm.s32 @!p2 $0x0  }
0x16: {  	s3 =	sld [smem:$0x3FDB];
	s0 =	simm.s32 @p2 $0x1  }
0x17: {  	s4 =	simm.s32 $0x1BF5;
	[smem:$0x3FB7] =	sst s0  }
0x18: {  	s0 =	sld [smem:$0x3F9A];
	_ =	swait.ge [sflag:s4], $0x0  }
0x19: {  	s7 =	sld [smem:$0x3F9B]  }
0x1a: {  	s8 =	sadd.s32 $0xFFFFE003, lr  }
0x1b: {  	s9 =	sadd.s32 $0xFFFFFEF7, lr;
	s5 =	simm.s32 $0xFFFFFFFF;
	p2 =	slt.u32 s8, $0xFFFFF086  }
0x1c: {  	p1 =	slt.u32 s9, $0xF7A;
	s5 =	simm.s32 @!p2 $0x0  }
0x1d: {  	s5 =	simm.s32 @p1 $0x1;
	p0 =	seq.s32 s7, s2  }
0x1e: {  	s7 =	smul.u32 @!p0 $0xF7A, s2;
	p2 =	seq.s32 @!p0 s5, $0x0  }
0x1f: {  	s9 =	smul.u32 $0xF7A, s1;
	s8 =	simm.s32 @!p0 $0x1BF5;
	p2 =	por !p2, p0  }
0x20: {  	[sflag:s8] =	ssyncset.s32 @!p0 $0xFFFFF086;
	s6 =	sadd.s32 @!p0 s3, s7;
	s7 =	simm.s32 @!p0 $0x108  }
0x21: {  	s3 =	sadd.s32 s3, s9;
	s6 =	sadd.s32 @!p0 $0x88, s6;
	s7 =	simm.s32 @p2 $0x1082  }
0x22: {  	[simem:s7], [sflag:s8] =	dma.local @!p0 [hbm:s6], $0xF7A  }
0x23: {  	s9 =	sor.u32 $0xD0000000, s2;
	s6 =	simm.s32 $0x108;
	_ =	swait.ge @!p0 [sflag:s8], $0x0  }
0x24: {  	s3 =	sadd.s32 $0x88, s3;
	s6 =	simm.s32 @!p1 $0x1082;
	[sflag:s4] =	ssyncset.s32 $0xFFFFF086  }
0x25: {  	[simem:s6], [sflag:s4] =	dma.local [hbm:s3], $0xF7A  }
0x26: {  	[smem:$0x3F9B] =	sst s1;
	(tag) =	ssettag s2;
	_ =	strace s9  }
0x27: {  	s1 =	sld [smem:$0x3FAB]  }
0x28: {  	s2 =	sld [smem:$0x3FAC]  }
0x29: {  	s4 =	sld [smem:$0x3FAE]  }
0x2a: {  	p0 =	seq.s32 s5, $0x0;
	s5 =	sld [smem:$0x3FAF]  }
0x2b: {  	s6 =	sld [smem:$0x3FB0]  }
0x2c: {  	s7 =	sld [smem:$0x3FB1]  }
0x2d: {  	s3 =	simm.s32 $0x108;
	s8 =	sld [smem:$0x3FB2]  }
0x2e: {  	s3 =	simm.s32 @!p0 $0x1082;
	s9 =	sld [smem:$0x3FB3]  }
0x2f: {  	lr =	sadd.s32 s0, s3;
	s0 =	sld [smem:$0x3FAA]  }
0x30: {  	s3 =	sld [smem:$0x3FAD]  }
0x31: {  	[smem:$0x3FB6] =	sst s10  }
0x32: {  	s10 =	sld [smem:$0x3FB4];
	_ =	sdelay $0x3  }
0x33: {  	p0 =	seq.s32 s10, $0x1;
	s10 =	sld [smem:$0x3FB6];
	_ =	sdelay $0x3  }
0x34: {  	[smem:$0x3FB6] =	sst s10  }
0x35: {  	s10 =	sld [smem:$0x3FB5];
	_ =	sdelay $0x3  }
0x36: {  	p1 =	seq.s32 s10, $0x1;
	s10 =	sld [smem:$0x3FB6];
	_ =	sdelay $0x3  }
0x37: {  	[smem:$0x3FB6] =	sst s10  }
0x38: {  	s10 =	sld [smem:$0x3FB7]  }
0x39: {  	_ = 	snop;
	(pc) =	sbr.ind lr, $3  }
0x3a: {  	_ = 	snop  }
0x3b: {  	_ = 	snop  }
0x3c: {  	p2 =	seq.s32 s10, $0x1;
	s10 =	sld [smem:$0x3FB6]  }
0x3d: {  	_ =	shalt  }
0x3e: {  	_ =	shalt  }
0x3f: {  	_ =	shalt  }
0x40: {  	_ =	shalt  }
0x41: {  	_ =	shalt  }
0x42: {  	_ =	shalt  }
0x43: {  	_ =	shalt  }
0x44: {  	_ =	shalt  }
0x45: {  	_ =	shalt  }
0x46: {  	_ =	shalt  }
0x47: {  	_ =	shalt  }
0x48: {  	_ =	shalt  }
0x49: {  	_ =	shalt  }
0x4a: {  	_ =	shalt  }
0x4b: {  	_ =	shalt  }
0x4c: {  	_ =	shalt  }
0x4d: {  	_ =	shalt  }
0x4e: {  	_ =	shalt  }
0x4f: {  	_ =	shalt  }
0x50: {  	_ =	shalt  }
0x51: {  	_ =	shalt  }
0x52: {  	_ =	shalt  }
0x53: {  	_ =	shalt  }
0x54: {  	_ =	shalt  }
0x55: {  	_ =	shalt  }
0x56: {  	_ =	shalt  }
0x57: {  	_ =	shalt  }
0x58: {  	_ =	shalt  }
0x59: {  	_ =	shalt  }
0x5a: {  	_ =	shalt  }
0x5b: {  	_ =	shalt  }
0x5c: {  	_ =	shalt  }
0x5d: {  	_ =	shalt  }
0x5e: {  	_ =	shalt  }
0x5f: {  	_ =	shalt  }
0x60: {  	_ =	shalt  }
0x61: {  	_ =	shalt  }
0x62: {  	_ =	shalt  }
0x63: {  	_ =	shalt  }
0x64: {  	_ =	shalt  }
0x65: {  	_ =	shalt  }
0x66: {  	_ =	shalt  }
0x67: {  	_ =	shalt  }
0x68: {  	_ =	shalt  }
0x69: {  	_ =	shalt  }
0x6a: {  	_ =	shalt  }
0x6b: {  	_ =	shalt  }
0x6c: {  	_ =	shalt  }
0x6d: {  	_ =	shalt  }
0x6e: {  	_ =	shalt  }
0x6f: {  	_ =	shalt  }
0x70: {  	_ =	shalt  }
0x71: {  	_ =	shalt  }
0x72: {  	_ =	shalt  }
0x73: {  	_ =	shalt  }
0x74: {  	_ =	shalt  }
0x75: {  	_ =	shalt  }
0x76: {  	_ =	shalt  }
0x77: {  	_ =	shalt  }
0x78: {  	_ =	shalt  }
0x79: {  	_ =	shalt  }
0x7a: {  	_ =	shalt  }
0x7b: {  	_ =	shalt  }
0x7c: {  	_ =	shalt  }
0x7d: {  	_ =	shalt  }
0x7e: {  	_ =	shalt  }
0x7f: {  	_ =	shalt  }
0x80: {  	_ =	shalt  }
0x81: {  	_ =	shalt  }
0x82: {  	_ =	shalt  }
0x83: {  	_ =	shalt  }
0x84: {  	_ =	shalt  }
0x85: {  	_ =	shalt  }
0x86: {  	_ =	shalt  }
0x87: {  	_ =	shalt  }
.Lfunc_end0:
.L_simem_size_0:
called_computation_lowered:
.L_overlay_start_0:
0x88: {  	s2 =	sld [smem:$0x3FD9]  }
0x89: {  	s3 =	sld [smem:$0x3FFE];
	_ =	sdelay $0x1  }
0x8a: {  	s1 =	srdreg.scid  }
0x8b: {  	s0 =	sand.u32 $0x1, s1  }
0x8c: {  	s16 =	sshll.u32 s0, $0xA;
	s2 =	sadd.s32 s3, s2  }
0x8d: {  	s2 =	sadd.s32 s2, s16  }
0x8e: {  	[smem:$0x3FC2] =	sst s2  }
0x8f: {  	_ = 	snop  }
0x90: {  	(tm) =	ssettm $0x1  }
0x91: {  	s17 =	sld [smem:$0x3FFB];
	_ =	sdelay $0x3  }
0x92: {  	_ =	strace s17  }
0x93: {  	s2 =	sld [smem:$0x3FFC];
	_ =	sdelay $0x3  }
0x94: {  	_ =	strace s2  }
0x95: {  	s2 =	sld [smem:$0x3FFD];
	_ =	sdelay $0x3  }
0x96: {  	_ =	strace s2  }
0x97: {  	_ =	strace $0x8FFFFFFF  }
0x98: {  	s18 =	sld [smem:$0x3FDB];
	_ =	sdelay $0x1  }
0x99: {  	s19 =	simm.s32 $_scs_section_size  }
0x9a: {  	s4 =	simm.s32 $_size__tile_overlayer_lowered;
	s5 =	simm.s32 $_tile_overlayer_lowered  }
0x9b: {  	s22 =	simm.s32 $0x1BFF;
	s21 =	sshll.u32 s5, $0x1;
	s2 =	sadd.s32 s19, s18  }
0x9c: {  	s6 =	simm.s32 $0x0;
	s20 =	sshll.u32 s4, $0x1;
	s4 =	sadd.s32 s21, s2  }
0x9d: {  	[timem:s6], [sflag:s22] =	dma.local [hbm:s4], s20  }
0x9e: {  	_ =	swait.ge [sflag:s22], s20  }
0x9f: {  	s3 =	ssub.s32 $0x0, s20;
	[sflag:s22] =	ssyncset.done $0x0  }
0xa0: {  	[sflag:s22] =	ssyncadd.s32 s3;
	_ =	sdelay $0x1  }
0xa1: {  	s23 =	simm.s32 $0x1B8B  }
0xa2: {  	_ =	swait.ge [sflag:s23], $0x1  }
0xa3: {  	[sflag:s23] =	ssyncset.done $0x0  }
0xa4: {  	s25 =	simm.s32 $0x1B8E;
	s24 =	sld [smem:$0x3FFE];
	[sflag:s23] =	ssyncadd.s32 $0xFFFFFFFF  }
0xa5: {  	s26 =	simm.s32 $execute0_lowered;
	[smem:$0x3FD2] =	sst s25  }
0xa6: {  	s4 =	sshll.u32 s26, $0x1;
	_ =	strace $0x80000046;
	[dreg:$0x1] =	wrdreg $0xFFFFFFFF  }
0xa7: {  	s28 =	simm.s32 $_size_execute0_lowered;
	s2 =	sadd.s32 s2, s4;
	[dreg:$0x0] =	wrdreg $0x0  }
0xa8: {  	s4 =	sshll.u32 s28, $0x1;
	[dreg:$0x2] =	wrdreg s2  }
0xa9: {  	[dreg:$0x3] =	wrdreg s4  }
0xaa: {  	[dreg:$0x4] =	wrdreg $0xC0  }
0xab: {  	_ =	task [dreg:s6], $0x5FFFF  }
0xac: {  	[dreg:$0x1] =	wrdreg $0xFFFFFFFF  }
0xad: {  	[dreg:$0x0] =	wrdreg $0x60  }
0xae: {  	[dreg:$0x2] =	wrdreg s24  }
0xaf: {  	[dreg:$0x3] =	wrdreg $0x9  }
0xb0: {  	_ =	task.clear_ibuf [dreg:s6], $0x4FFFF;
	_ =	strace $0x90000046  }
0xb1: {  	s29 =	simm.s32 $0x9;
	_ =	strace $0x80000048  }
0xb2: {  	_ =	swait.ge [sflag:s29], $0x1  }
0xb3: {  	[sflag:s29] =	ssyncadd.s32 $0xFFFFFFFF  }
0xb4: {  	_ =	strace $0x90000048  }
0xb5: {  	_ =	sfence  }
0xb6: {  	s30 =	sld [smem:$0x0];
	_ =	sdelay $0x2  }
0xb7: {  	s31 =	sshll.u32 s1, $0xD;
	s1 =	sshrl.u32 s1, $0x2  }
0xb8: {  	s3 =	sand.u32 $0x4000, s31;
	s1 =	sadd.s32 s1, s30  }
0xb9: {  	s0 =	sor.u32 s3, s0;
	s1 =	sshll.u32 s1, $0x11  }
0xba: {  	s0 =	sor.u32 s1, s0  }
0xbb: {  	s0 =	sadd.s32 $0x8F2B, s0  }
0xbc: {  	[sflag:s0] =	ssyncadd.remote.s32 $0x1  }
0xbd: {  	_ =	sfence.sel $0xFFFF  }
0xbe: {  	[dreg:$0x0] =	wrdreg $0xFFFFFFFF;
	(pc) =	sbr.abs _section_cstart, $3  }
0xbf: {  	[dreg:$0x1] =	wrdreg $0xFFFFFFFF  }
0xc0: {  	_ =	task.clear_ibuf [dreg:s6], $0x2FFFF;
	_ =	strace $0x9FFFFFFF  }
0xc1: {  	(tm) =	ssettm $0x7FFFFFFF  }
tec
execute0_lowered:
.L_overlay_start_1:
0x0: {  	(tag) =	ssettag $0x1  }
0x1: {  	s0 =	rddreg [dreg:$0x0];
	s1 =	srdreg.scid  }
0x2: {  	s3 =	stileid.u32;
	s2 =	simm.s32 $0x0;
	s7 =	simm.s32 $0x5  }
0x3: {  	s8 =	simm.s32 $0x64;
	s12 =	simm.s32 $0xD0;
	s13 =	simm.s32 $0x9A00  }
0x4: {  	s14 =	simm.s32 $0x138;
	s15 =	simm.s32 $0xB300;
	s16 =	simm.s32 $0x1A0  }
0x5: {  	s17 =	simm.s32 $0xCC00;
	s18 =	simm.s32 $0x208;
	s19 =	simm.s32 $0xE500  }
0x6: {  	s20 =	simm.s32 $0x270;
	s21 =	simm.s32 $0xFE00;
	s22 =	simm.s32 $0x2D8  }
0x7: {  	s23 =	simm.s32 $0x11700;
	s24 =	simm.s32 $0x1;
	s25 =	simm.s32 $0x2  }
0x8: {  	s26 =	simm.s32 $0x3;
	s28 =	simm.s32 $0x4;
	s29 =	simm.s32 $0x13000  }
0x9: {  	s30 =	simm.s32 $0x0;
	s1 =	sand.u32 $0x1, s1;
	s3 =	sshll.u32 s3, $0x1  }
.Ltmp0:
0xa: {  	[smem:$0x7FF] =	sst s2;
	s4 =	sor.u32 s1, s3;
	(pc) =	sbr.rel .LBB2_1-.Ltmp0, $4  }
0xb: {  	_ =	strace $0x80000047;
	s1 =	ssub.s32 $0x2, s1;
	s5 =	smul.u32 $0xD00, s4  }
0xc: {  	s3 =	sadd.s32 $0xF42E00, s0;
	s4 =	sshll.u32 s4, $0xA;
	s31 =	sshrl.u32 s1, $0x1  }
0xd: {  	s1 =	ssub.s32 s1, s31;
	s5 =	sadd.s32 s5, s0;
	s0 =	sadd.s32 s4, s0  }
0xe: {  	s6 =	smax.u32 s1, $0x1;
	s4 =	sadd.s32 $0xA00, s5;
	s5 =	sadd.s32 $0x1AA00, s0  }
.LBB2_12:
0xf: {  	s30 =	sadd.s32 $0x1, s30  }
0x10: {  	p0 =	sne.s32 s30, s6  }
.Ltmp1:
0x11: {  	_ = 	snop;
	(pc) =	sbr.rel @!p0 .LBB2_13-.Ltmp1, $4  }
0x12: {  	[hbm4b:s5+s2] =	stream.linear.scatter [tilespmem:s29], [sflag:$0x5], $0x2000, $0x38;
	[tilespmem:$0x15000] =	vst v63  }
0x13: {  	_ =	swait.ge [sflag:s7], $0x2000  }
0x14: {  	[sflag:s7] =	ssyncset.done $0x0  }
0x15: {  	[sflag:s7] =	ssyncadd.s32 $0xFFFFE000  }
.LBB2_1:
0x16: {  	[tilespmem:s2], [sflag:$0x5] =	stream.linear.gather [hbm4b:s4+s2], $0x6800, $0x38;
	[tilespmem:$0x15000] =	vst v63  }
0x17: {  	_ =	swait.ge [sflag:s7], $0x6800  }
0x18: {  	[sflag:s7] =	ssyncset.done $0x0  }
0x19: {  	s0 =	simm.s32 $0x6800;
	[sflag:s7] =	ssyncadd.s32 $0xFFFF9800  }
0x1a: {  	[tilespmem:s0], [sflag:$0x1] =	stream.indirect.gather [hbm4b:s3+s8], $0x40, s2, s8, $0xb8;
	[tilespmem:$0x15000] =	vst v63  }
0x1b: {  	s11 =	simm.s32 $0x68;
	s1 =	simm.s32 $0x8100  }
0x1c: {  	[tilespmem:s1], [sflag:$0x1] =	stream.indirect.gather [hbm4b:s3+s8], $0x40, s11, s8, $0xb8;
	[tilespmem:$0x15000] =	vst v63  }
0x1d: {  	_ = 	snop  }
0x1e: {  	[tilespmem:s13], [sflag:$0x2] =	stream.indirect.gather [hbm4b:s3+s8], $0x40, s12, s8, $0xb8;
	[tilespmem:$0x15000] =	vst v63  }
0x1f: {  	_ = 	snop  }
0x20: {  	[tilespmem:s15], [sflag:$0x2] =	stream.indirect.gather [hbm4b:s3+s8], $0x40, s14, s8, $0xb8;
	[tilespmem:$0x15000] =	vst v63  }
0x21: {  	_ = 	snop  }
0x22: {  	[tilespmem:s17], [sflag:$0x3] =	stream.indirect.gather [hbm4b:s3+s8], $0x40, s16, s8, $0xb8;
	[tilespmem:$0x15000] =	vst v63  }
0x23: {  	_ = 	snop  }
0x24: {  	[tilespmem:s19], [sflag:$0x3] =	stream.indirect.gather [hbm4b:s3+s8], $0x40, s18, s8, $0xb8;
	[tilespmem:$0x15000] =	vst v63  }
0x25: {  	_ = 	snop  }
0x26: {  	[tilespmem:s21], [sflag:$0x4] =	stream.indirect.gather [hbm4b:s3+s8], $0x40, s20, s8, $0xb8;
	[tilespmem:$0x15000] =	vst v63  }
0x27: {  	s31 =	simm.s32 $0x0  }
0x28: {  	[tilespmem:s23], [sflag:$0x4] =	stream.indirect.gather [hbm4b:s3+s8], $0x40, s22, s8, $0xb8;
	[tilespmem:$0x15000] =	vst v63  }
.LBB2_2:
0x29: {  	_ =	swait.ge [sflag:s24], $0x1900  }
0x2a: {  	[sflag:s24] =	ssyncset.done $0x0  }
0x2b: {  	[sflag:s24] =	ssyncadd.s32 $0xFFFFE700  }
0x2c: {  	_ =	swait.ge [sflag:s24], $0x1900  }
0x2d: {  	[sflag:s24] =	ssyncset.done $0x0  }
0x2e: {  	s1 =	simm.s32 $0x6880;
	[sflag:s24] =	ssyncadd.s32 $0xFFFFE700  }
0x2f: {  	v0 =	vld [tilespmem:s1+$0x40]  }
0x30: {  	v1 =	vld [tilespmem:s1+$0x50]  }
0x31: {  	v2 =	vld [tilespmem:s1+$0x0]  }
0x32: {  	v3 =	vld [tilespmem:s1+$0x10]  }
0x33: {  	v7 =	vld [tilespmem:s1+$0xFFFFFFC0]  }
0x34: {  	v12 =	vld [tilespmem:s1+$0xFFFFFFD0]  }
0x35: {  	v4 =	vld [tilespmem:s1+$0xFFFFFF80]  }
0x36: {  	v6 =	vld [tilespmem:s1+$0xFFFFFF90]  }
0x37: {  	v10 =	vld [tilespmem:s1+$0xFFFFFFA0]  }
0x38: {  	v13 =	vld [tilespmem:s1+$0xFFFFFFB0]  }
0x39: {  	v8 =	vld [tilespmem:s1+$0xFFFFFFE0]  }
0x3a: {  	v9 =	vld [tilespmem:s1+$0xFFFFFFF0]  }
0x3b: {  	v14 =	vimm.f32 $0.0e+00;
	v5 =	vld [tilespmem:s1+$0x20]  }
0x3c: {  	v15 =	vadd.f32 v4, v14;
	v16 =	vadd.f32 v6, v14;
	v6 =	vld [tilespmem:s1+$0x30]  }
0x3d: {  	v11 =	vadd.f32 v10, v14;
	v10 =	vadd.f32 v13, v14;
	v4 =	vld [tilespmem:s1+$0x60]  }
0x3e: {  	s0 =	simm.s32 $0x0;
	v13 =	vadd.f32 v7, v15;
	v12 =	vadd.f32 v12, v16;
	v7 =	vld [tilespmem:s1+$0x70];
	s1 =	simm.s32 $0x6980  }
.LBB2_3:
0x3f: {  	v14 =	vld [tilespmem:s1+$0x40];
	v8 =	vadd.f32 v8, v11;
	v9 =	vadd.f32 v9, v10  }
0x40: {  	v10 =	vld [tilespmem:s1+$0x50];
	v11 =	vadd.f32 v2, v13;
	v12 =	vadd.f32 v3, v12  }
0x41: {  	v2 =	vld [tilespmem:s1+$0x0];
	v5 =	vadd.f32 v5, v8;
	v6 =	vadd.f32 v6, v9  }
0x42: {  	v3 =	vld [tilespmem:s1+$0x10];
	v11 =	vadd.f32 v0, v11;
	v12 =	vadd.f32 v1, v12  }
0x43: {  	v13 =	vld [tilespmem:s1+$0xFFFFFFC0];
	v4 =	vadd.f32 v4, v5;
	v7 =	vadd.f32 v7, v6  }
0x44: {  	v15 =	vld [tilespmem:s1+$0xFFFFFFD0];
	v0 =	vmov v14  }
0x45: {  	v6 =	vld [tilespmem:s1+$0xFFFFFF80];
	v1 =	vmov v10  }
0x46: {  	v10 =	vld [tilespmem:s1+$0xFFFFFF90]  }
0x47: {  	v14 =	vld [tilespmem:s1+$0xFFFFFFA0]  }
0x48: {  	s0 =	sadd.s32 $0x4, s0;
	v16 =	vld [tilespmem:s1+$0xFFFFFFB0]  }
0x49: {  	p0 =	slt.u32 s0, $0xC4;
	v8 =	vld [tilespmem:s1+$0xFFFFFFE0]  }
.Ltmp2:
0x4a: {  	v9 =	vld [tilespmem:s1+$0xFFFFFFF0];
	(pc) =	sbr.rel @p0 .LBB2_3-.Ltmp2, $4  }
0x4b: {  	v5 =	vld [tilespmem:s1+$0x20]  }
0x4c: {  	v17 =	vadd.f32 v6, v11;
	v12 =	vadd.f32 v10, v12;
	v6 =	vld [tilespmem:s1+$0x30]  }
0x4d: {  	v11 =	vadd.f32 v14, v4;
	v10 =	vadd.f32 v16, v7;
	v4 =	vld [tilespmem:s1+$0x60]  }
0x4e: {  	v13 =	vadd.f32 v13, v17;
	v12 =	vadd.f32 v15, v12;
	v7 =	vld [tilespmem:s1+$0x70];
	s1 =	sadd.s32 $0x100, s1  }
0x4f: {  	_ = 	snop  }
0x50: {  	v8 =	vadd.f32 v8, v11;
	v2 =	vadd.f32 v2, v13  }
0x51: {  	v9 =	vadd.f32 v9, v10;
	v3 =	vadd.f32 v3, v12  }
0x52: {  	s0 =	sshll.u32 s31, $0x8;
	v5 =	vadd.f32 v5, v8;
	v0 =	vadd.f32 v0, v2  }
0x53: {  	p0 =	seq.s32 s31, $0x1F;
	s0 =	sand.u32 $0x3FFFFF00, s0;
	v2 =	vadd.f32 v6, v9;
	v1 =	vadd.f32 v1, v3  }
0x54: {  	s1 =	smul.u32 @!p0 $0xD00, s31;
	v3 =	vadd.f32 v4, v5;
	[tilespmem:s0+$0x13000] =	vst v0  }
0x55: {  	v0 =	vadd.f32 v7, v2;
	[tilespmem:s0+$0x13010] =	vst v1  }
0x56: {  	s1 =	sshra.s32 @!p0 s1, $0x2;
	[tilespmem:s0+$0x13020] =	vst v3  }
0x57: {  	s10 =	simm.s32 @!p0 $0x64;
	s11 =	simm.s32 @!p0 $0x6800;
	s9 =	sadd.s32 @!p0 $0x340, s1;
	[tilespmem:s0+$0x13030] =	vst v0  }
0x58: {  	[tilespmem:s11], [sflag:$0x1] =	stream.indirect.gather @!p0 [hbm4b:s3+s10], $0x40, s9, s10, $0xb8;
	[tilespmem:$0x15000] =	vst v63  }
0x59: {  	s9 =	sadd.s32 @!p0 $0x3A8, s1;
	s11 =	simm.s32 @!p0 $0x8100  }
0x5a: {  	[tilespmem:s11], [sflag:$0x1] =	stream.indirect.gather @!p0 [hbm4b:s3+s10], $0x40, s9, s10, $0xb8;
	[tilespmem:$0x15000] =	vst v63  }
0x5b: {  	_ =	swait.ge [sflag:s25], $0x1900  }
0x5c: {  	[sflag:s25] =	ssyncset.done $0x0  }
0x5d: {  	[sflag:s25] =	ssyncadd.s32 $0xFFFFE700  }
0x5e: {  	_ =	swait.ge [sflag:s25], $0x1900  }
0x5f: {  	[sflag:s25] =	ssyncset.done $0x0  }
0x60: {  	s11 =	simm.s32 $0x9A80;
	[sflag:s25] =	ssyncadd.s32 $0xFFFFE700  }
0x61: {  	v0 =	vld [tilespmem:s11+$0x40]  }
0x62: {  	v1 =	vld [tilespmem:s11+$0x50]  }
0x63: {  	v2 =	vld [tilespmem:s11+$0x0]  }
0x64: {  	v3 =	vld [tilespmem:s11+$0x10]  }
0x65: {  	v9 =	vld [tilespmem:s11+$0xFFFFFFC0]  }
0x66: {  	v12 =	vld [tilespmem:s11+$0xFFFFFFD0]  }
0x67: {  	v5 =	vld [tilespmem:s11+$0xFFFFFF80]  }
0x68: {  	v7 =	vld [tilespmem:s11+$0xFFFFFF90]  }
0x69: {  	v10 =	vld [tilespmem:s11+$0xFFFFFFA0]  }
0x6a: {  	v13 =	vld [tilespmem:s11+$0xFFFFFFB0]  }
0x6b: {  	v6 =	vld [tilespmem:s11+$0xFFFFFFE0]  }
0x6c: {  	v8 =	vld [tilespmem:s11+$0xFFFFFFF0]  }
0x6d: {  	v14 =	vimm.f32 $0.0e+00;
	v4 =	vld [tilespmem:s11+$0x20]  }
0x6e: {  	v15 =	vadd.f32 v5, v14;
	v16 =	vadd.f32 v7, v14;
	v7 =	vld [tilespmem:s11+$0x30]  }
0x6f: {  	v11 =	vadd.f32 v10, v14;
	v10 =	vadd.f32 v13, v14;
	v5 =	vld [tilespmem:s11+$0x60]  }
0x70: {  	s9 =	simm.s32 $0x0;
	s10 =	simm.s32 $0x9B80;
	v13 =	vadd.f32 v9, v15;
	v12 =	vadd.f32 v12, v16;
	v9 =	vld [tilespmem:s11+$0x70]  }
.LBB2_5:
0x71: {  	v14 =	vld [tilespmem:s10+$0x40];
	v6 =	vadd.f32 v6, v11;
	v8 =	vadd.f32 v8, v10  }
0x72: {  	v10 =	vld [tilespmem:s10+$0x50];
	v11 =	vadd.f32 v2, v13;
	v12 =	vadd.f32 v3, v12  }
0x73: {  	v2 =	vld [tilespmem:s10+$0x0];
	v4 =	vadd.f32 v4, v6;
	v6 =	vadd.f32 v7, v8  }
0x74: {  	v3 =	vld [tilespmem:s10+$0x10];
	v7 =	vadd.f32 v0, v11;
	v11 =	vadd.f32 v1, v12  }
0x75: {  	v12 =	vld [tilespmem:s10+$0xFFFFFFC0];
	v5 =	vadd.f32 v5, v4;
	v9 =	vadd.f32 v9, v6  }
0x76: {  	v15 =	vld [tilespmem:s10+$0xFFFFFFD0];
	v0 =	vmov v14  }
0x77: {  	v13 =	vld [tilespmem:s10+$0xFFFFFF80];
	v1 =	vmov v10  }
0x78: {  	v10 =	vld [tilespmem:s10+$0xFFFFFF90]  }
0x79: {  	v14 =	vld [tilespmem:s10+$0xFFFFFFA0]  }
0x7a: {  	s9 =	sadd.s32 $0x4, s9;
	v16 =	vld [tilespmem:s10+$0xFFFFFFB0]  }
0x7b: {  	p1 =	slt.u32 s9, $0xC4;
	v6 =	vld [tilespmem:s10+$0xFFFFFFE0]  }
.Ltmp3:
0x7c: {  	v8 =	vld [tilespmem:s10+$0xFFFFFFF0];
	(pc) =	sbr.rel @p1 .LBB2_5-.Ltmp3, $4  }
0x7d: {  	v4 =	vld [tilespmem:s10+$0x20]  }
0x7e: {  	v13 =	vadd.f32 v13, v7;
	v17 =	vadd.f32 v10, v11;
	v7 =	vld [tilespmem:s10+$0x30]  }
0x7f: {  	v11 =	vadd.f32 v14, v5;
	v10 =	vadd.f32 v16, v9;
	v5 =	vld [tilespmem:s10+$0x60]  }
0x80: {  	v13 =	vadd.f32 v12, v13;
	v12 =	vadd.f32 v15, v17;
	v9 =	vld [tilespmem:s10+$0x70];
	s10 =	sadd.s32 $0x100, s10  }
0x81: {  	_ = 	snop  }
0x82: {  	v6 =	vadd.f32 v6, v11;
	v2 =	vadd.f32 v2, v13  }
0x83: {  	v8 =	vadd.f32 v8, v10;
	v3 =	vadd.f32 v3, v12  }
0x84: {  	v4 =	vadd.f32 v4, v6;
	v0 =	vadd.f32 v0, v2  }
0x85: {  	v2 =	vadd.f32 v7, v8;
	v1 =	vadd.f32 v1, v3  }
0x86: {  	v3 =	vadd.f32 v5, v4;
	[tilespmem:s0+$0x13040] =	vst v0  }
0x87: {  	v0 =	vadd.f32 v9, v2;
	[tilespmem:s0+$0x13050] =	vst v1  }
0x88: {  	[tilespmem:s0+$0x13060] =	vst v3  }
0x89: {  	s9 =	sadd.s32 @!p0 $0x410, s1;
	s10 =	simm.s32 @!p0 $0x64;
	s11 =	simm.s32 @!p0 $0x9A00;
	[tilespmem:s0+$0x13070] =	vst v0  }
0x8a: {  	[tilespmem:s11], [sflag:$0x2] =	stream.indirect.gather @!p0 [hbm4b:s3+s10], $0x40, s9, s10, $0xb8;
	[tilespmem:$0x15000] =	vst v63  }
0x8b: {  	s9 =	sadd.s32 @!p0 $0x478, s1;
	s11 =	simm.s32 @!p0 $0xB300  }
0x8c: {  	[tilespmem:s11], [sflag:$0x2] =	stream.indirect.gather @!p0 [hbm4b:s3+s10], $0x40, s9, s10, $0xb8;
	[tilespmem:$0x15000] =	vst v63  }
0x8d: {  	_ =	swait.ge [sflag:s26], $0x1900  }
0x8e: {  	[sflag:s26] =	ssyncset.done $0x0  }
0x8f: {  	[sflag:s26] =	ssyncadd.s32 $0xFFFFE700  }
0x90: {  	_ =	swait.ge [sflag:s26], $0x1900  }
0x91: {  	[sflag:s26] =	ssyncset.done $0x0  }
0x92: {  	s11 =	simm.s32 $0xCC80;
	[sflag:s26] =	ssyncadd.s32 $0xFFFFE700  }
0x93: {  	v0 =	vld [tilespmem:s11+$0x40]  }
0x94: {  	v1 =	vld [tilespmem:s11+$0x50]  }
0x95: {  	v2 =	vld [tilespmem:s11+$0x0]  }
0x96: {  	v3 =	vld [tilespmem:s11+$0x10]  }
0x97: {  	v9 =	vld [tilespmem:s11+$0xFFFFFFC0]  }
0x98: {  	v12 =	vld [tilespmem:s11+$0xFFFFFFD0]  }
0x99: {  	v5 =	vld [tilespmem:s11+$0xFFFFFF80]  }
0x9a: {  	v7 =	vld [tilespmem:s11+$0xFFFFFF90]  }
0x9b: {  	v10 =	vld [tilespmem:s11+$0xFFFFFFA0]  }
0x9c: {  	v13 =	vld [tilespmem:s11+$0xFFFFFFB0]  }
0x9d: {  	v6 =	vld [tilespmem:s11+$0xFFFFFFE0]  }
0x9e: {  	v8 =	vld [tilespmem:s11+$0xFFFFFFF0]  }
0x9f: {  	v14 =	vimm.f32 $0.0e+00;
	v4 =	vld [tilespmem:s11+$0x20]  }
0xa0: {  	v15 =	vadd.f32 v5, v14;
	v16 =	vadd.f32 v7, v14;
	v7 =	vld [tilespmem:s11+$0x30]  }
0xa1: {  	v11 =	vadd.f32 v10, v14;
	v10 =	vadd.f32 v13, v14;
	v5 =	vld [tilespmem:s11+$0x60]  }
0xa2: {  	s9 =	simm.s32 $0x0;
	s10 =	simm.s32 $0xCD80;
	v13 =	vadd.f32 v9, v15;
	v12 =	vadd.f32 v12, v16;
	v9 =	vld [tilespmem:s11+$0x70]  }
.LBB2_7:
0xa3: {  	v14 =	vld [tilespmem:s10+$0x40];
	v6 =	vadd.f32 v6, v11;
	v8 =	vadd.f32 v8, v10  }
0xa4: {  	v10 =	vld [tilespmem:s10+$0x50];
	v11 =	vadd.f32 v2, v13;
	v12 =	vadd.f32 v3, v12  }
0xa5: {  	v2 =	vld [tilespmem:s10+$0x0];
	v4 =	vadd.f32 v4, v6;
	v6 =	vadd.f32 v7, v8  }
0xa6: {  	v3 =	vld [tilespmem:s10+$0x10];
	v7 =	vadd.f32 v0, v11;
	v11 =	vadd.f32 v1, v12  }
0xa7: {  	v12 =	vld [tilespmem:s10+$0xFFFFFFC0];
	v5 =	vadd.f32 v5, v4;
	v9 =	vadd.f32 v9, v6  }
0xa8: {  	v15 =	vld [tilespmem:s10+$0xFFFFFFD0];
	v0 =	vmov v14  }
0xa9: {  	v13 =	vld [tilespmem:s10+$0xFFFFFF80];
	v1 =	vmov v10  }
0xaa: {  	v10 =	vld [tilespmem:s10+$0xFFFFFF90]  }
0xab: {  	v14 =	vld [tilespmem:s10+$0xFFFFFFA0]  }
0xac: {  	s9 =	sadd.s32 $0x4, s9;
	v16 =	vld [tilespmem:s10+$0xFFFFFFB0]  }
0xad: {  	p1 =	slt.u32 s9, $0xC4;
	v6 =	vld [tilespmem:s10+$0xFFFFFFE0]  }
.Ltmp4:
0xae: {  	v8 =	vld [tilespmem:s10+$0xFFFFFFF0];
	(pc) =	sbr.rel @p1 .LBB2_7-.Ltmp4, $4  }
0xaf: {  	v4 =	vld [tilespmem:s10+$0x20]  }
0xb0: {  	v13 =	vadd.f32 v13, v7;
	v17 =	vadd.f32 v10, v11;
	v7 =	vld [tilespmem:s10+$0x30]  }
0xb1: {  	v11 =	vadd.f32 v14, v5;
	v10 =	vadd.f32 v16, v9;
	v5 =	vld [tilespmem:s10+$0x60]  }
0xb2: {  	v13 =	vadd.f32 v12, v13;
	v12 =	vadd.f32 v15, v17;
	v9 =	vld [tilespmem:s10+$0x70];
	s10 =	sadd.s32 $0x100, s10  }
0xb3: {  	_ = 	snop  }
0xb4: {  	v6 =	vadd.f32 v6, v11;
	v2 =	vadd.f32 v2, v13  }
0xb5: {  	v8 =	vadd.f32 v8, v10;
	v3 =	vadd.f32 v3, v12  }
0xb6: {  	v4 =	vadd.f32 v4, v6;
	v0 =	vadd.f32 v0, v2  }
0xb7: {  	v2 =	vadd.f32 v7, v8;
	v1 =	vadd.f32 v1, v3  }
0xb8: {  	v3 =	vadd.f32 v5, v4;
	[tilespmem:s0+$0x13080] =	vst v0  }
0xb9: {  	v0 =	vadd.f32 v9, v2;
	[tilespmem:s0+$0x13090] =	vst v1  }
0xba: {  	[tilespmem:s0+$0x130A0] =	vst v3  }
0xbb: {  	s9 =	sadd.s32 @!p0 $0x4E0, s1;
	s10 =	simm.s32 @!p0 $0x64;
	s11 =	simm.s32 @!p0 $0xCC00;
	[tilespmem:s0+$0x130B0] =	vst v0  }
0xbc: {  	[tilespmem:s11], [sflag:$0x3] =	stream.indirect.gather @!p0 [hbm4b:s3+s10], $0x40, s9, s10, $0xb8;
	[tilespmem:$0x15000] =	vst v63  }
0xbd: {  	s1 =	sadd.s32 @!p0 $0x548, s1;
	s9 =	simm.s32 @!p0 $0xE500  }
0xbe: {  	[tilespmem:s9], [sflag:$0x3] =	stream.indirect.gather @!p0 [hbm4b:s3+s10], $0x40, s1, s10, $0xb8;
	[tilespmem:$0x15000] =	vst v63  }
0xbf: {  	_ =	swait.ge [sflag:s28], $0x1900  }
0xc0: {  	[sflag:s28] =	ssyncset.done $0x0  }
0xc1: {  	[sflag:s28] =	ssyncadd.s32 $0xFFFFE700  }
0xc2: {  	_ =	swait.ge [sflag:s28], $0x1900  }
0xc3: {  	[sflag:s28] =	ssyncset.done $0x0  }
0xc4: {  	s11 =	simm.s32 $0xFE80;
	[sflag:s28] =	ssyncadd.s32 $0xFFFFE700  }
0xc5: {  	v0 =	vld [tilespmem:s11+$0x40]  }
0xc6: {  	v1 =	vld [tilespmem:s11+$0x50]  }
0xc7: {  	v2 =	vld [tilespmem:s11+$0x0]  }
0xc8: {  	v3 =	vld [tilespmem:s11+$0x10]  }
0xc9: {  	v9 =	vld [tilespmem:s11+$0xFFFFFFC0]  }
0xca: {  	v12 =	vld [tilespmem:s11+$0xFFFFFFD0]  }
0xcb: {  	v5 =	vld [tilespmem:s11+$0xFFFFFF80]  }
0xcc: {  	v7 =	vld [tilespmem:s11+$0xFFFFFF90]  }
0xcd: {  	v10 =	vld [tilespmem:s11+$0xFFFFFFA0]  }
0xce: {  	v13 =	vld [tilespmem:s11+$0xFFFFFFB0]  }
0xcf: {  	v6 =	vld [tilespmem:s11+$0xFFFFFFE0]  }
0xd0: {  	v8 =	vld [tilespmem:s11+$0xFFFFFFF0]  }
0xd1: {  	v14 =	vimm.f32 $0.0e+00;
	v4 =	vld [tilespmem:s11+$0x20]  }
0xd2: {  	v15 =	vadd.f32 v5, v14;
	v16 =	vadd.f32 v7, v14;
	v7 =	vld [tilespmem:s11+$0x30]  }
0xd3: {  	v11 =	vadd.f32 v10, v14;
	v10 =	vadd.f32 v13, v14;
	v5 =	vld [tilespmem:s11+$0x60]  }
0xd4: {  	s1 =	simm.s32 $0x0;
	s9 =	simm.s32 $0xFF80;
	v13 =	vadd.f32 v9, v15;
	v12 =	vadd.f32 v12, v16;
	v9 =	vld [tilespmem:s11+$0x70]  }
.LBB2_9:
0xd5: {  	v14 =	vld [tilespmem:s9+$0x40];
	v6 =	vadd.f32 v6, v11;
	v8 =	vadd.f32 v8, v10  }
0xd6: {  	v10 =	vld [tilespmem:s9+$0x50];
	v11 =	vadd.f32 v2, v13;
	v12 =	vadd.f32 v3, v12  }
0xd7: {  	v2 =	vld [tilespmem:s9+$0x0];
	v4 =	vadd.f32 v4, v6;
	v6 =	vadd.f32 v7, v8  }
0xd8: {  	v3 =	vld [tilespmem:s9+$0x10];
	v7 =	vadd.f32 v0, v11;
	v11 =	vadd.f32 v1, v12  }
0xd9: {  	v12 =	vld [tilespmem:s9+$0xFFFFFFC0];
	v5 =	vadd.f32 v5, v4;
	v9 =	vadd.f32 v9, v6  }
0xda: {  	v15 =	vld [tilespmem:s9+$0xFFFFFFD0];
	v0 =	vmov v14  }
0xdb: {  	v13 =	vld [tilespmem:s9+$0xFFFFFF80];
	v1 =	vmov v10  }
0xdc: {  	v10 =	vld [tilespmem:s9+$0xFFFFFF90]  }
0xdd: {  	v14 =	vld [tilespmem:s9+$0xFFFFFFA0]  }
0xde: {  	s1 =	sadd.s32 $0x4, s1;
	v16 =	vld [tilespmem:s9+$0xFFFFFFB0]  }
0xdf: {  	p1 =	slt.u32 s1, $0xC4;
	v6 =	vld [tilespmem:s9+$0xFFFFFFE0]  }
.Ltmp5:
0xe0: {  	v8 =	vld [tilespmem:s9+$0xFFFFFFF0];
	(pc) =	sbr.rel @p1 .LBB2_9-.Ltmp5, $4  }
0xe1: {  	v4 =	vld [tilespmem:s9+$0x20]  }
0xe2: {  	v13 =	vadd.f32 v13, v7;
	v17 =	vadd.f32 v10, v11;
	v7 =	vld [tilespmem:s9+$0x30]  }
0xe3: {  	v11 =	vadd.f32 v14, v5;
	v10 =	vadd.f32 v16, v9;
	v5 =	vld [tilespmem:s9+$0x60]  }
0xe4: {  	v13 =	vadd.f32 v12, v13;
	v12 =	vadd.f32 v15, v17;
	v9 =	vld [tilespmem:s9+$0x70];
	s9 =	sadd.s32 $0x100, s9  }
0xe5: {  	_ = 	snop  }
0xe6: {  	v6 =	vadd.f32 v6, v11;
	v2 =	vadd.f32 v2, v13  }
0xe7: {  	v8 =	vadd.f32 v8, v10;
	v3 =	vadd.f32 v3, v12  }
0xe8: {  	v4 =	vadd.f32 v4, v6;
	v0 =	vadd.f32 v0, v2  }
.Ltmp6:
0xe9: {  	v61 =	vadd.f32 v7, v8;
	v1 =	vadd.f32 v1, v3;
	(pc) =	sbr.rel @p0 .LBB2_12-.Ltmp6, $4  }
0xea: {  	v62 =	vadd.f32 v5, v4;
	[tilespmem:s0+$0x130C0] =	vst v0  }
0xeb: {  	v63 =	vadd.f32 v9, v61;
	[tilespmem:s0+$0x130D0] =	vst v1  }
0xec: {  	[tilespmem:s0+$0x130E0] =	vst v62  }
0xed: {  	[tilespmem:s0+$0x130F0] =	vst v63  }
0xee: {  	s0 =	smul.u32 $0xD00, s31;
	_ =	sdelay $0x1  }
.Ltmp7:
0xef: {  	s0 =	sshra.s32 s0, $0x2;
	(pc) =	sbr.rel .LBB2_2-.Ltmp7, $4  }
0xf0: {  	s1 =	sadd.s32 $0x5B0, s0  }
0xf1: {  	[tilespmem:s21], [sflag:$0x4] =	stream.indirect.gather [hbm4b:s3+s8], $0x40, s1, s8, $0xb8;
	[tilespmem:$0x15000] =	vst v63  }
0xf2: {  	s31 =	sadd.s32 $0x1, s31;
	s0 =	sadd.s32 $0x618, s0  }
0xf3: {  	[tilespmem:s23], [sflag:$0x4] =	stream.indirect.gather [hbm4b:s3+s8], $0x40, s0, s8, $0xb8;
	[tilespmem:$0x15000] =	vst v63  }
.LBB2_13:
0xf4: {  	_ =	sfence.sel $0x180000  }
0xf5: {  	[bflag:$0x0] =	sbarrier.arrive $0xFFFF  }
0xf6: {  	_ =	strace $0x90000047  }
0xf7: {  	s0 =	stileid.u32;
	[bflag:$0x2] =	sbarrier.arrive $0xFFFF  }
0xf8: {  	p0 =	sne.s32 s0, $0x0;
	s0 =	rddreg [dreg:$0x1]  }
0xf9: {  	s0 =	sadd.s32 @!p0 $0x100000, s0  }
0xfa: {  	[sflag:s0] =	ssyncadd.tile.s32 @!p0 $0x1;
	_ =	shalt  }
.Lfunc_end2:
_tile_overlayer_lowered:
.L_overlay_start_2:
0xfb: {  	(tag) =	ssettag $0x2  }
0xfc: {  	s0 =	rddreg [dreg:$0x0];
	s2 =	stileid.u32  }
0xfd: {  	s1 =	rddreg [dreg:$0x1];
	p0 =	sne.s32 s2, $0x0  }
0xfe: {  	s3 =	rddreg [dreg:$0x2];
	[bflag:$0x3] =	sbarrier.arrive $0xFFFF;
	s2 =	simm.s32 @!p0 $0x1C05  }
0xff: {  	[timem:s3], [sflag:s2] =	dma.local @!p0 [hbm:s0], s1  }
0x100: {  	s0 =	simm.s32 @!p0 $0x5  }
0x101: {  	_ =	swait.ge @!p0 [sflag:s0], s1  }
0x102: {  	s1 =	ssub.s32 @!p0 $0x0, s1;
	[sflag:s0] =	ssyncset.done @!p0 $0x0  }
0x103: {  	[sflag:s0] =	ssyncadd.s32 @!p0 s1  }
0x104: {  	[bflag:$0x3] =	sbarrier.arrive $0xFFFF  }
0x105: {  	_ =	shalt  }

</sc_bundles>
